<compile_context>
chip_gen: v7x
topology: tpu7x:2x2x1
jax: 0.10.2.dev20260603
libtpu: 0.0.44.dev20260713+nightly
codegen_flags: <defaults>
</compile_context>

<pallas_src>
import functools

import jax
import jax.numpy as jnp
from jax import lax
from jax.experimental import pallas as pl
from jax.experimental.pallas import tpu as pltpu
from jax.experimental.pallas import tpu_sc as plsc

B = 16384
F = 26
L = 20
D = 32
NW = 32
ROWS_PER_W = B // NW
BAGS_PER_W = ROWS_PER_W * F
IDX_PER_W = BAGS_PER_W * L
CHUNK_BAGS = 64
CHUNK_IDX = CHUNK_BAGS * L
N_STREAMS = CHUNK_IDX // 128
N_CHUNKS = IDX_PER_W // CHUNK_IDX
IDX_BATCH = 8


def _sc_pool(x_resh, table):
    mesh = plsc.VectorSubcoreMesh(core_axis_name="c", subcore_axis_name="s")

    @functools.partial(
        pl.kernel,
        mesh=mesh,
        out_type=jax.ShapeDtypeStruct((B * F, D), jnp.float32),
        scratch_types=[
            pltpu.VMEM((IDX_BATCH, CHUNK_IDX), jnp.int32),
            pltpu.VMEM((CHUNK_IDX, D), jnp.float32),
            pltpu.VMEM((CHUNK_IDX, D), jnp.float32),
            pltpu.VMEM((CHUNK_BAGS, D), jnp.float32),
            pltpu.VMEM((CHUNK_BAGS, D), jnp.float32),
            pltpu.SemaphoreType.DMA,
            pltpu.SemaphoreType.DMA,
            pltpu.SemaphoreType.DMA,
            pltpu.SemaphoreType.DMA,
        ],
        compiler_params=pltpu.CompilerParams(use_tc_tiling_on_sc=False),
    )
    def body(x_hbm, table_hbm, out_hbm, idx_v, rows0, rows1, outv0, outv1,
             gsem0, gsem1, osem0, osem1):
        wid = lax.axis_index("s") * 2 + lax.axis_index("c")
        rows = (rows0, rows1)
        outv = (outv0, outv1)
        gsem = (gsem0, gsem1)
        osem = (osem0, osem1)

        def fire(c, buf):
            c16 = c % IDX_BATCH
            pltpu.async_copy(
                table_hbm.at[idx_v.at[c16]],
                rows[buf],
                gsem[buf],
            )

        def drain_gather(buf):
            pltpu.make_async_copy(
                table_hbm.at[idx_v.at[0]],
                rows[buf],
                gsem[buf],
            ).wait()

        def stage_idx(c):
            pltpu.sync_copy(x_hbm.at[wid, c // IDX_BATCH], idx_v)

        stage_idx(0)
        fire(0, 0)

        def pair_body(g, carry):
            for b in range(2):
                c = 2 * g + b
                nb = 1 - b

                drain_gather(b)

                @pl.when(jnp.logical_and(c % IDX_BATCH == IDX_BATCH - 1,
                                         c + 1 < N_CHUNKS))
                def _():
                    stage_idx(c + 1)

                @pl.when(c + 1 < N_CHUNKS)
                def _():
                    fire(c + 1, nb)

                @pl.when(c >= 2)
                def _():
                    pltpu.make_async_copy(
                        outv[b],
                        out_hbm.at[pl.ds(0, CHUNK_BAGS)],
                        osem[b],
                    ).wait()

                def bag_body(bb, carry2):
                    base = bb * L
                    for h in range(2):
                        t = []
                        for k in range(L):
                            r = base + k
                            t.append(rows[b][r, pl.ds(16 * h, 16)])
                        while len(t) > 1:
                            t = [t[i] + t[i + 1] for i in range(0, len(t) - 1, 2)] \
                                + ([t[-1]] if len(t) % 2 else [])
                        outv[b][bb, pl.ds(16 * h, 16)] = t[0]
                    return carry2

                @plsc.parallel_loop(0, CHUNK_BAGS, 1, unroll=2)
                def _(bb):
                    bag_body(bb, 0)

                pltpu.async_copy(
                    outv[b],
                    out_hbm.at[pl.ds(wid * BAGS_PER_W + c * CHUNK_BAGS,
                                     CHUNK_BAGS)],
                    osem[b],
                )
            return carry

        lax.fori_loop(0, N_CHUNKS // 2, pair_body, 0)

        for b in range(2):
            pltpu.make_async_copy(
                outv[b], out_hbm.at[pl.ds(0, CHUNK_BAGS)], osem[b]
            ).wait()

    return body(x_resh, table)


def _tc_normalize(flat):
    BR = 1024

    def body(x_ref, o_ref):
        x = x_ref[...]
        s = jnp.sum(x * x, axis=1, keepdims=True)
        o_ref[...] = x * lax.rsqrt(jnp.maximum(s, 1e-24))

    return pl.pallas_call(
        body,
        out_shape=jax.ShapeDtypeStruct((B, F * D), jnp.float32),
        grid=(B // BR,),
        in_specs=[pl.BlockSpec((BR, F * D), lambda i: (i, 0))],
        out_specs=pl.BlockSpec((BR, F * D), lambda i: (i, 0)),
    )(flat)


def kernel(x, table):
    x_resh = x.reshape(NW, N_CHUNKS // IDX_BATCH, IDX_BATCH, CHUNK_IDX)
    pooled = _sc_pool(x_resh, table)
    flat = pooled.reshape(B, F * D)
    return _tc_normalize(flat)

# --- scband reference (transcript-rebuilt; emitter-appended) ---
"""Pipeline reference for scband-gru4-rec-item-module-82703890252106 (READ-ONLY COPY).

The authoritative reference and input builder live on the scoring server;
editing this copy changes nothing except your own understanding.
"""

import jax, jax.numpy as jnp
import numpy as np

BATCH = 16384
N_FIELDS = 26
BAG_LEN = 20
VOCAB = 1000000
EMBED_DIM = 32
SPARSE_INIT_VAR = 0.0001


def setup_inputs(seed: int = 0) -> dict:
    key = jax.random.key(seed)
    k1, k2 = jax.random.split(key)
    # multivalent sparse feature ids: [batch, n_fields, bag_len]
    x = jax.random.randint(k1, (BATCH, N_FIELDS, BAG_LEN), 0, VOCAB, dtype=jnp.int32)
    # embedding table, NormalTensorInitializer(var=1e-4) -> std=1e-2
    table = jax.random.normal(k2, (VOCAB, EMBED_DIM), dtype=jnp.float32) * np.sqrt(SPARSE_INIT_VAR)
    return {"x": x, "table": table}


def reference(x, table):
    # EmbeddingSumConcat with embedding_bag_mode='sum':
    # per-field embedding-bag sum pooling, then concat across fields
    emb = jnp.take(table, x, axis=0)              # [B, F, L, D] gather
    pooled = jnp.sum(emb, axis=2)                  # [B, F, D] sum pooling per bag
    flat = pooled.reshape(pooled.shape[0], -1)     # [B, F*D] concat
    # net_dropout == 0 -> dropout is identity
    # F.normalize(x) : L2 normalize along dim=1 with eps=1e-12
    norm = jnp.maximum(jnp.linalg.norm(flat, axis=1, keepdims=True), 1e-12)
    return flat / norm

if __name__ == "__main__":
    import jax
    _d = setup_inputs()
    print(jax.jit(kernel)(*tuple(_d.values())))

</pallas_src>

<mosaic_0001>
#map = affine_map<(d0, d1) -> (0, 0, 0, 0)>
#map1 = affine_map<(d0, d1) -> (0, 0)>
module attributes {stable_mosaic.version = 14 : i64} {
  func.func @body(%arg0: i32, %arg1: i32, %arg2: memref<32x26x8x1280xi32, #tpu.memory_space<hbm>>, %arg3: memref<1000000x32xf32, #tpu.memory_space<hbm>>, %arg4: memref<425984x32xf32, #tpu.memory_space<hbm>>, %arg5: memref<8x1280xi32, #tpu.memory_space<vmem>>, %arg6: memref<1280x32xf32, #tpu.memory_space<vmem>>, %arg7: memref<1280x32xf32, #tpu.memory_space<vmem>>, %arg8: memref<64x32xf32, #tpu.memory_space<vmem>>, %arg9: memref<64x32xf32, #tpu.memory_space<vmem>>, %arg10: memref<!tpu.dma_semaphore, #tpu.memory_space<semaphore_mem>>, %arg11: memref<!tpu.dma_semaphore, #tpu.memory_space<semaphore_mem>>, %arg12: memref<!tpu.dma_semaphore, #tpu.memory_space<semaphore_mem>>, %arg13: memref<!tpu.dma_semaphore, #tpu.memory_space<semaphore_mem>>) attributes {dimension_semantics = [#tpu.dimension_semantics<core_parallel>, #tpu.dimension_semantics<subcore_parallel>], iteration_bounds = array<i64: 2, 16>, scalar_prefetch = 0 : i64, scratch_operands = 9 : i64, tpu.core_type = #tpu.core_type<sc_vector_subcore>, window_params = [{transform_indices = #map}, {transform_indices = #map1}, {transform_indices = #map1}]} {
    %mul3A = arith.constant 2 : i32
    %mul3A_0 = arith.muli %arg1, %mul3A : i32
    %add3A = arith.addi %mul3A_0, %arg0 : i32
    %run_scoped3A = arith.constant 0 : i32
    "tpu.region"() ({
      %run_scoped3A_23 = tpu.sem_alloc : memref<!tpu.dma_semaphore, #tpu.memory_space<semaphore_mem>>
      %dma_start3A_24 = arith.constant 0 : i32
      %dma_start3A_25 = arith.constant 0 : i32
      %dma_start3A_26 = tpu.memref_slice %arg2[%add3A, %run_scoped3A, %dma_start3A_24, %dma_start3A_25] : memref<32x26x8x1280xi32, #tpu.memory_space<hbm>> -> memref<1x1x8x1280xi32, #tpu.memory_space<hbm>>
      %dma_start3A_27 = tpu.memref_squeeze %dma_start3A_26 : memref<1x1x8x1280xi32, #tpu.memory_space<hbm>> -> memref<8x1280xi32, #tpu.memory_space<hbm>>
      %dma_start3A_28 = arith.constant 0 : i32
      %dma_start3A_29 = arith.constant 0 : i32
      %dma_start3A_30 = tpu.memref_slice %arg2[%add3A, %run_scoped3A, %dma_start3A_28, %dma_start3A_29] : memref<32x26x8x1280xi32, #tpu.memory_space<hbm>> -> memref<1x1x8x1280xi32, #tpu.memory_space<hbm>>
      %dma_start3A_31 = tpu.memref_squeeze %dma_start3A_30 : memref<1x1x8x1280xi32, #tpu.memory_space<hbm>> -> memref<8x1280xi32, #tpu.memory_space<hbm>>
      tpu.enqueue_dma source(%dma_start3A_31 : memref<8x1280xi32, #tpu.memory_space<hbm>>) target(%arg5 : memref<8x1280xi32, #tpu.memory_space<vmem>>) target_semaphore(%run_scoped3A_23 : memref<!tpu.dma_semaphore, #tpu.memory_space<semaphore_mem>>)
      %dma_wait3A_32 = arith.constant 0 : i32
      %dma_wait3A_33 = arith.constant 0 : i32
      %dma_wait3A_34 = tpu.memref_slice %arg2[%add3A, %run_scoped3A, %dma_wait3A_32, %dma_wait3A_33] : memref<32x26x8x1280xi32, #tpu.memory_space<hbm>> -> memref<1x1x8x1280xi32, #tpu.memory_space<hbm>>
      %dma_wait3A_35 = tpu.memref_squeeze %dma_wait3A_34 : memref<1x1x8x1280xi32, #tpu.memory_space<hbm>> -> memref<8x1280xi32, #tpu.memory_space<hbm>>
      %dma_wait3A_36 = arith.constant 0 : i32
      %dma_wait3A_37 = arith.constant 0 : i32
      %dma_wait3A_38 = tpu.memref_slice %arg2[%add3A, %run_scoped3A, %dma_wait3A_36, %dma_wait3A_37] : memref<32x26x8x1280xi32, #tpu.memory_space<hbm>> -> memref<1x1x8x1280xi32, #tpu.memory_space<hbm>>
      %dma_wait3A_39 = tpu.memref_squeeze %dma_wait3A_38 : memref<1x1x8x1280xi32, #tpu.memory_space<hbm>> -> memref<8x1280xi32, #tpu.memory_space<hbm>>
      tpu.wait_dma2 semaphore(%run_scoped3A_23 : memref<!tpu.dma_semaphore, #tpu.memory_space<semaphore_mem>>) src(%dma_wait3A_39 : memref<8x1280xi32, #tpu.memory_space<hbm>>) dst(%arg5 : memref<8x1280xi32, #tpu.memory_space<vmem>>)
      tpu.yield
    }) : () -> ()
    %dma_start3A = arith.constant 0 : i32
    %dma_start3A_1 = arith.constant 0 : i32
    %dma_start3A_2 = tpu.memref_slice %arg5[%dma_start3A, %dma_start3A_1] : memref<8x1280xi32, #tpu.memory_space<vmem>> -> memref<1x1280xi32, #tpu.memory_space<vmem>>
    %dma_start3A_3 = tpu.memref_squeeze %dma_start3A_2 : memref<1x1280xi32, #tpu.memory_space<vmem>> -> memref<1280xi32, #tpu.memory_space<vmem>>
    %dma_start3A_4 = arith.constant 0 : i32
    %dma_start3A_5 = arith.constant 0 : i32
    %dma_start3A_6 = tpu.memref_slice %arg3[%dma_start3A_4, %dma_start3A_5] : memref<1000000x32xf32, #tpu.memory_space<hbm>> -> memref<1000000x32xf32, #tpu.memory_space<hbm>>
    tpu.enqueue_indirect_dma source(%dma_start3A_6 : memref<1000000x32xf32, #tpu.memory_space<hbm>>) target(%arg6 : memref<1280x32xf32, #tpu.memory_space<vmem>>) offsets(%dma_start3A_3 : memref<1280xi32, #tpu.memory_space<vmem>>) semaphore(%arg10 : memref<!tpu.dma_semaphore, #tpu.memory_space<semaphore_mem>>)
    %scan3A = arith.constant 0 : i32
    %scan3A_7 = arith.constant 0 : i32
    %scan3A_8 = arith.constant 104 : i32
    %scan3A_9 = arith.addi %scan3A_7, %scan3A_8 : i32
    %scan3A_10 = arith.constant 1 : i32
    scf.for %scan3A_23 = %scan3A_7 to %scan3A_9 step %scan3A_10  : i32 {
      %mul3A_24 = arith.constant 2 : i32
      %mul3A_25 = arith.muli %mul3A_24, %scan3A_23 : i32
      %add3A_26 = arith.constant 0 : i32
      %add3A_27 = arith.addi %mul3A_25, %add3A_26 : i32
      %dma_wait3A_28 = arith.constant 0 : i32
      %dma_wait3A_29 = arith.constant 0 : i32
      %dma_wait3A_30 = tpu.memref_slice %arg5[%dma_wait3A_28, %dma_wait3A_29] : memref<8x1280xi32, #tpu.memory_space<vmem>> -> memref<1x1280xi32, #tpu.memory_space<vmem>>
      %dma_wait3A_31 = tpu.memref_squeeze %dma_wait3A_30 : memref<1x1280xi32, #tpu.memory_space<vmem>> -> memref<1280xi32, #tpu.memory_space<vmem>>
      %dma_wait3A_32 = arith.constant 0 : i32
      %dma_wait3A_33 = arith.constant 0 : i32
      %dma_wait3A_34 = tpu.memref_slice %arg3[%dma_wait3A_32, %dma_wait3A_33] : memref<1000000x32xf32, #tpu.memory_space<hbm>> -> memref<1000000x32xf32, #tpu.memory_space<hbm>>
      tpu.wait_indirect_dma semaphore(%arg10 : memref<!tpu.dma_semaphore, #tpu.memory_space<semaphore_mem>>) src(%dma_wait3A_34 : memref<1000000x32xf32, #tpu.memory_space<hbm>>) dst(%arg6 : memref<1280x32xf32, #tpu.memory_space<vmem>>)
      %jit3A = arith.constant 8 : i32
      %eq3A = arith.constant 0 : i32
      %eq3A_35 = arith.cmpi eq, %jit3A, %eq3A : i32
      %jit3A_36 = arith.constant 1 : i32
      %select_n3A = arith.select %eq3A_35, %jit3A_36, %jit3A : i32
      %rem3A = arith.remsi %add3A_27, %select_n3A : i32
      %ne3A = arith.constant 0 : i32
      %ne3A_37 = arith.cmpi ne, %rem3A, %ne3A : i32
      %lt3A = arith.constant 0 : i32
      %lt3A_38 = arith.cmpi slt, %rem3A, %lt3A : i32
      %lt3A_39 = arith.constant 0 : i32
      %lt3A_40 = arith.cmpi slt, %select_n3A, %lt3A_39 : i32
      %ne3A_41 = arith.xori %lt3A_38, %lt3A_40 : i1
      %and3A = arith.andi %ne3A_41, %ne3A_37 : i1
      %add3A_42 = arith.addi %rem3A, %select_n3A : i32
      %select_n3A_43 = arith.select %and3A, %add3A_42, %rem3A : i32
      %eq3A_44 = arith.constant 7 : i32
      %eq3A_45 = arith.cmpi eq, %select_n3A_43, %eq3A_44 : i32
      %add3A_46 = arith.constant 1 : i32
      %add3A_47 = arith.addi %add3A_27, %add3A_46 : i32
      %lt3A_48 = arith.constant 208 : i32
      %lt3A_49 = arith.cmpi slt, %add3A_47, %lt3A_48 : i32
      %and3A_50 = arith.andi %eq3A_45, %lt3A_49 : i1
      %convert_element_type3A = arith.extui %and3A_50 : i1 to i32
      %cond3A = arith.constant 0 : i32
      %cond3A_51 = arith.cmpi ne, %convert_element_type3A, %cond3A : i32
      scf.if %cond3A_51 {
        %add3A_135 = arith.constant 1 : i32
        %add3A_136 = arith.addi %add3A_27, %add3A_135 : i32
        %jit3A_137 = arith.constant 8 : i32
        %div3A = arith.divsi %add3A_136, %jit3A_137 : i32
        %sign3A = arith.constant 0 : i32
        %sign3A_138 = arith.cmpi sgt, %add3A_136, %sign3A : i32
        %sign3A_139 = arith.extui %sign3A_138 : i1 to i32
        %sign3A_140 = arith.constant 0 : i32
        %sign3A_141 = arith.cmpi slt, %add3A_136, %sign3A_140 : i32
        %sign3A_142 = arith.extui %sign3A_141 : i1 to i32
        %sign3A_143 = arith.subi %sign3A_139, %sign3A_142 : i32
        %sign3A_144 = arith.constant 0 : i32
        %sign3A_145 = arith.cmpi sgt, %jit3A_137, %sign3A_144 : i32
        %sign3A_146 = arith.extui %sign3A_145 : i1 to i32
        %sign3A_147 = arith.constant 0 : i32
        %sign3A_148 = arith.cmpi slt, %jit3A_137, %sign3A_147 : i32
        %sign3A_149 = arith.extui %sign3A_148 : i1 to i32
        %sign3A_150 = arith.subi %sign3A_146, %sign3A_149 : i32
        %ne3A_151 = arith.cmpi ne, %sign3A_143, %sign3A_150 : i32
        %rem3A_152 = arith.remsi %add3A_136, %jit3A_137 : i32
        %ne3A_153 = arith.constant 0 : i32
        %ne3A_154 = arith.cmpi ne, %rem3A_152, %ne3A_153 : i32
        %and3A_155 = arith.andi %ne3A_151, %ne3A_154 : i1
        %sub3A = arith.constant 1 : i32
        %sub3A_156 = arith.subi %div3A, %sub3A : i32
        %select_n3A_157 = arith.select %and3A_155, %sub3A_156, %div3A : i32
        "tpu.region"() ({
          %run_scoped3A_158 = tpu.sem_alloc : memref<!tpu.dma_semaphore, #tpu.memory_space<semaphore_mem>>
          %dma_start3A_159 = arith.constant 0 : i32
          %dma_start3A_160 = arith.constant 0 : i32
          %dma_start3A_161 = tpu.memref_slice %arg2[%add3A, %select_n3A_157, %dma_start3A_159, %dma_start3A_160] : memref<32x26x8x1280xi32, #tpu.memory_space<hbm>> -> memref<1x1x8x1280xi32, #tpu.memory_space<hbm>>
          %dma_start3A_162 = tpu.memref_squeeze %dma_start3A_161 : memref<1x1x8x1280xi32, #tpu.memory_space<hbm>> -> memref<8x1280xi32, #tpu.memory_space<hbm>>
          %dma_start3A_163 = arith.constant 0 : i32
          %dma_start3A_164 = arith.constant 0 : i32
          %dma_start3A_165 = tpu.memref_slice %arg2[%add3A, %select_n3A_157, %dma_start3A_163, %dma_start3A_164] : memref<32x26x8x1280xi32, #tpu.memory_space<hbm>> -> memref<1x1x8x1280xi32, #tpu.memory_space<hbm>>
          %dma_start3A_166 = tpu.memref_squeeze %dma_start3A_165 : memref<1x1x8x1280xi32, #tpu.memory_space<hbm>> -> memref<8x1280xi32, #tpu.memory_space<hbm>>
          tpu.enqueue_dma source(%dma_start3A_166 : memref<8x1280xi32, #tpu.memory_space<hbm>>) target(%arg5 : memref<8x1280xi32, #tpu.memory_space<vmem>>) target_semaphore(%run_scoped3A_158 : memref<!tpu.dma_semaphore, #tpu.memory_space<semaphore_mem>>)
          %dma_wait3A_167 = arith.constant 0 : i32
          %dma_wait3A_168 = arith.constant 0 : i32
          %dma_wait3A_169 = tpu.memref_slice %arg2[%add3A, %select_n3A_157, %dma_wait3A_167, %dma_wait3A_168] : memref<32x26x8x1280xi32, #tpu.memory_space<hbm>> -> memref<1x1x8x1280xi32, #tpu.memory_space<hbm>>
          %dma_wait3A_170 = tpu.memref_squeeze %dma_wait3A_169 : memref<1x1x8x1280xi32, #tpu.memory_space<hbm>> -> memref<8x1280xi32, #tpu.memory_space<hbm>>
          %dma_wait3A_171 = arith.constant 0 : i32
          %dma_wait3A_172 = arith.constant 0 : i32
          %dma_wait3A_173 = tpu.memref_slice %arg2[%add3A, %select_n3A_157, %dma_wait3A_171, %dma_wait3A_172] : memref<32x26x8x1280xi32, #tpu.memory_space<hbm>> -> memref<1x1x8x1280xi32, #tpu.memory_space<hbm>>
          %dma_wait3A_174 = tpu.memref_squeeze %dma_wait3A_173 : memref<1x1x8x1280xi32, #tpu.memory_space<hbm>> -> memref<8x1280xi32, #tpu.memory_space<hbm>>
          tpu.wait_dma2 semaphore(%run_scoped3A_158 : memref<!tpu.dma_semaphore, #tpu.memory_space<semaphore_mem>>) src(%dma_wait3A_174 : memref<8x1280xi32, #tpu.memory_space<hbm>>) dst(%arg5 : memref<8x1280xi32, #tpu.memory_space<vmem>>)
          tpu.yield
        }) : () -> ()
      } else {
      }
      %add3A_52 = arith.constant 1 : i32
      %add3A_53 = arith.addi %add3A_27, %add3A_52 : i32
      %lt3A_54 = arith.constant 208 : i32
      %lt3A_55 = arith.cmpi slt, %add3A_53, %lt3A_54 : i32
      %convert_element_type3A_56 = arith.extui %lt3A_55 : i1 to i32
      %cond3A_57 = arith.constant 0 : i32
      %cond3A_58 = arith.cmpi ne, %convert_element_type3A_56, %cond3A_57 : i32
      scf.if %cond3A_58 {
        %add3A_135 = arith.constant 1 : i32
        %add3A_136 = arith.addi %add3A_27, %add3A_135 : i32
        %jit3A_137 = arith.constant 8 : i32
        %eq3A_138 = arith.constant 0 : i32
        %eq3A_139 = arith.cmpi eq, %jit3A_137, %eq3A_138 : i32
        %jit3A_140 = arith.constant 1 : i32
        %select_n3A_141 = arith.select %eq3A_139, %jit3A_140, %jit3A_137 : i32
        %rem3A_142 = arith.remsi %add3A_136, %select_n3A_141 : i32
        %ne3A_143 = arith.constant 0 : i32
        %ne3A_144 = arith.cmpi ne, %rem3A_142, %ne3A_143 : i32
        %lt3A_145 = arith.constant 0 : i32
        %lt3A_146 = arith.cmpi slt, %rem3A_142, %lt3A_145 : i32
        %lt3A_147 = arith.constant 0 : i32
        %lt3A_148 = arith.cmpi slt, %select_n3A_141, %lt3A_147 : i32
        %ne3A_149 = arith.xori %lt3A_146, %lt3A_148 : i1
        %and3A_150 = arith.andi %ne3A_149, %ne3A_144 : i1
        %add3A_151 = arith.addi %rem3A_142, %select_n3A_141 : i32
        %select_n3A_152 = arith.select %and3A_150, %add3A_151, %rem3A_142 : i32
        %dma_start3A_153 = arith.constant 0 : i32
        %dma_start3A_154 = tpu.memref_slice %arg5[%select_n3A_152, %dma_start3A_153] : memref<8x1280xi32, #tpu.memory_space<vmem>> -> memref<1x1280xi32, #tpu.memory_space<vmem>>
        %dma_start3A_155 = tpu.memref_squeeze %dma_start3A_154 : memref<1x1280xi32, #tpu.memory_space<vmem>> -> memref<1280xi32, #tpu.memory_space<vmem>>
        %dma_start3A_156 = arith.constant 0 : i32
        %dma_start3A_157 = arith.constant 0 : i32
        %dma_start3A_158 = tpu.memref_slice %arg3[%dma_start3A_156, %dma_start3A_157] : memref<1000000x32xf32, #tpu.memory_space<hbm>> -> memref<1000000x32xf32, #tpu.memory_space<hbm>>
        tpu.enqueue_indirect_dma source(%dma_start3A_158 : memref<1000000x32xf32, #tpu.memory_space<hbm>>) target(%arg7 : memref<1280x32xf32, #tpu.memory_space<vmem>>) offsets(%dma_start3A_155 : memref<1280xi32, #tpu.memory_space<vmem>>) semaphore(%arg11 : memref<!tpu.dma_semaphore, #tpu.memory_space<semaphore_mem>>)
      } else {
      }
      %ge3A = arith.constant 2 : i32
      %ge3A_59 = arith.cmpi sge, %add3A_27, %ge3A : i32
      %convert_element_type3A_60 = arith.extui %ge3A_59 : i1 to i32
      %cond3A_61 = arith.constant 0 : i32
      %cond3A_62 = arith.cmpi ne, %convert_element_type3A_60, %cond3A_61 : i32
      scf.if %cond3A_62 {
        %dma_wait3A_135 = arith.constant 0 : i32
        %dma_wait3A_136 = arith.constant 0 : i32
        %dma_wait3A_137 = tpu.memref_slice %arg4[%dma_wait3A_135, %dma_wait3A_136] : memref<425984x32xf32, #tpu.memory_space<hbm>> -> memref<64x32xf32, #tpu.memory_space<hbm>>
        %dma_wait3A_138 = arith.constant 0 : i32
        %dma_wait3A_139 = arith.constant 0 : i32
        %dma_wait3A_140 = tpu.memref_slice %arg4[%dma_wait3A_138, %dma_wait3A_139] : memref<425984x32xf32, #tpu.memory_space<hbm>> -> memref<64x32xf32, #tpu.memory_space<hbm>>
        tpu.wait_dma2 semaphore(%arg12 : memref<!tpu.dma_semaphore, #tpu.memory_space<semaphore_mem>>) src(%arg8 : memref<64x32xf32, #tpu.memory_space<vmem>>) dst(%dma_wait3A_140 : memref<64x32xf32, #tpu.memory_space<hbm>>)
      } else {
      }
      %parallel_loop3A = arith.constant 0 : i32
      %parallel_loop3A_63 = arith.constant 64 : i32
      %parallel_loop3A_64 = arith.constant 1 : i32
      scf.for %parallel_loop3A_135 = %parallel_loop3A to %parallel_loop3A_63 step %parallel_loop3A_64  : i32 {
        %parallel_loop3A_136 = arith.constant 20 : i32
        %parallel_loop3A_137 = arith.muli %parallel_loop3A_135, %parallel_loop3A_136 : i32
        %parallel_loop3A_138 = arith.constant 0 : i32
        %parallel_loop3A_139 = arith.addi %parallel_loop3A_137, %parallel_loop3A_138 : i32
        %parallel_loop3A_140 = arith.index_cast %parallel_loop3A_139 : i32 to index
        %parallel_loop3A_141 = arith.constant 0 : index
        %parallel_loop3A_142 = tpu.vector_load %arg6[%parallel_loop3A_140, %parallel_loop3A_141] {strides = array<i32>} : memref<1280x32xf32, #tpu.memory_space<vmem>>, vector<1x16xf32>,
        %parallel_loop3A_143 = vector.shape_cast %parallel_loop3A_142 : vector<1x16xf32> to vector<16xf32>
        %parallel_loop3A_144 = arith.constant 1 : i32
        %parallel_loop3A_145 = arith.addi %parallel_loop3A_137, %parallel_loop3A_144 : i32
        %parallel_loop3A_146 = arith.index_cast %parallel_loop3A_145 : i32 to index
        %parallel_loop3A_147 = arith.constant 0 : index
        %parallel_loop3A_148 = tpu.vector_load %arg6[%parallel_loop3A_146, %parallel_loop3A_147] {strides = array<i32>} : memref<1280x32xf32, #tpu.memory_space<vmem>>, vector<1x16xf32>,
        %parallel_loop3A_149 = vector.shape_cast %parallel_loop3A_148 : vector<1x16xf32> to vector<16xf32>
        %parallel_loop3A_150 = arith.constant 2 : i32
        %parallel_loop3A_151 = arith.addi %parallel_loop3A_137, %parallel_loop3A_150 : i32
        %parallel_loop3A_152 = arith.index_cast %parallel_loop3A_151 : i32 to index
        %parallel_loop3A_153 = arith.constant 0 : index
        %parallel_loop3A_154 = tpu.vector_load %arg6[%parallel_loop3A_152, %parallel_loop3A_153] {strides = array<i32>} : memref<1280x32xf32, #tpu.memory_space<vmem>>, vector<1x16xf32>,
        %parallel_loop3A_155 = vector.shape_cast %parallel_loop3A_154 : vector<1x16xf32> to vector<16xf32>
        %parallel_loop3A_156 = arith.constant 3 : i32
        %parallel_loop3A_157 = arith.addi %parallel_loop3A_137, %parallel_loop3A_156 : i32
        %parallel_loop3A_158 = arith.index_cast %parallel_loop3A_157 : i32 to index
        %parallel_loop3A_159 = arith.constant 0 : index
        %parallel_loop3A_160 = tpu.vector_load %arg6[%parallel_loop3A_158, %parallel_loop3A_159] {strides = array<i32>} : memref<1280x32xf32, #tpu.memory_space<vmem>>, vector<1x16xf32>,
        %parallel_loop3A_161 = vector.shape_cast %parallel_loop3A_160 : vector<1x16xf32> to vector<16xf32>
        %parallel_loop3A_162 = arith.constant 4 : i32
        %parallel_loop3A_163 = arith.addi %parallel_loop3A_137, %parallel_loop3A_162 : i32
        %parallel_loop3A_164 = arith.index_cast %parallel_loop3A_163 : i32 to index
        %parallel_loop3A_165 = arith.constant 0 : index
        %parallel_loop3A_166 = tpu.vector_load %arg6[%parallel_loop3A_164, %parallel_loop3A_165] {strides = array<i32>} : memref<1280x32xf32, #tpu.memory_space<vmem>>, vector<1x16xf32>,
        %parallel_loop3A_167 = vector.shape_cast %parallel_loop3A_166 : vector<1x16xf32> to vector<16xf32>
        %parallel_loop3A_168 = arith.constant 5 : i32
        %parallel_loop3A_169 = arith.addi %parallel_loop3A_137, %parallel_loop3A_168 : i32
        %parallel_loop3A_170 = arith.index_cast %parallel_loop3A_169 : i32 to index
        %parallel_loop3A_171 = arith.constant 0 : index
        %parallel_loop3A_172 = tpu.vector_load %arg6[%parallel_loop3A_170, %parallel_loop3A_171] {strides = array<i32>} : memref<1280x32xf32, #tpu.memory_space<vmem>>, vector<1x16xf32>,
        %parallel_loop3A_173 = vector.shape_cast %parallel_loop3A_172 : vector<1x16xf32> to vector<16xf32>
        %parallel_loop3A_174 = arith.constant 6 : i32
        %parallel_loop3A_175 = arith.addi %parallel_loop3A_137, %parallel_loop3A_174 : i32
        %parallel_loop3A_176 = arith.index_cast %parallel_loop3A_175 : i32 to index
        %parallel_loop3A_177 = arith.constant 0 : index
        %parallel_loop3A_178 = tpu.vector_load %arg6[%parallel_loop3A_176, %parallel_loop3A_177] {strides = array<i32>} : memref<1280x32xf32, #tpu.memory_space<vmem>>, vector<1x16xf32>,
        %parallel_loop3A_179 = vector.shape_cast %parallel_loop3A_178 : vector<1x16xf32> to vector<16xf32>
        %parallel_loop3A_180 = arith.constant 7 : i32
        %parallel_loop3A_181 = arith.addi %parallel_loop3A_137, %parallel_loop3A_180 : i32
        %parallel_loop3A_182 = arith.index_cast %parallel_loop3A_181 : i32 to index
        %parallel_loop3A_183 = arith.constant 0 : index
        %parallel_loop3A_184 = tpu.vector_load %arg6[%parallel_loop3A_182, %parallel_loop3A_183] {strides = array<i32>} : memref<1280x32xf32, #tpu.memory_space<vmem>>, vector<1x16xf32>,
        %parallel_loop3A_185 = vector.shape_cast %parallel_loop3A_184 : vector<1x16xf32> to vector<16xf32>
        %parallel_loop3A_186 = arith.constant 8 : i32
        %parallel_loop3A_187 = arith.addi %parallel_loop3A_137, %parallel_loop3A_186 : i32
        %parallel_loop3A_188 = arith.index_cast %parallel_loop3A_187 : i32 to index
        %parallel_loop3A_189 = arith.constant 0 : index
        %parallel_loop3A_190 = tpu.vector_load %arg6[%parallel_loop3A_188, %parallel_loop3A_189] {strides = array<i32>} : memref<1280x32xf32, #tpu.memory_space<vmem>>, vector<1x16xf32>,
        %parallel_loop3A_191 = vector.shape_cast %parallel_loop3A_190 : vector<1x16xf32> to vector<16xf32>
        %parallel_loop3A_192 = arith.constant 9 : i32
        %parallel_loop3A_193 = arith.addi %parallel_loop3A_137, %parallel_loop3A_192 : i32
        %parallel_loop3A_194 = arith.index_cast %parallel_loop3A_193 : i32 to index
        %parallel_loop3A_195 = arith.constant 0 : index
        %parallel_loop3A_196 = tpu.vector_load %arg6[%parallel_loop3A_194, %parallel_loop3A_195] {strides = array<i32>} : memref<1280x32xf32, #tpu.memory_space<vmem>>, vector<1x16xf32>,
        %parallel_loop3A_197 = vector.shape_cast %parallel_loop3A_196 : vector<1x16xf32> to vector<16xf32>
        %parallel_loop3A_198 = arith.constant 10 : i32
        %parallel_loop3A_199 = arith.addi %parallel_loop3A_137, %parallel_loop3A_198 : i32
        %parallel_loop3A_200 = arith.index_cast %parallel_loop3A_199 : i32 to index
        %parallel_loop3A_201 = arith.constant 0 : index
        %parallel_loop3A_202 = tpu.vector_load %arg6[%parallel_loop3A_200, %parallel_loop3A_201] {strides = array<i32>} : memref<1280x32xf32, #tpu.memory_space<vmem>>, vector<1x16xf32>,
        %parallel_loop3A_203 = vector.shape_cast %parallel_loop3A_202 : vector<1x16xf32> to vector<16xf32>
        %parallel_loop3A_204 = arith.constant 11 : i32
        %parallel_loop3A_205 = arith.addi %parallel_loop3A_137, %parallel_loop3A_204 : i32
        %parallel_loop3A_206 = arith.index_cast %parallel_loop3A_205 : i32 to index
        %parallel_loop3A_207 = arith.constant 0 : index
        %parallel_loop3A_208 = tpu.vector_load %arg6[%parallel_loop3A_206, %parallel_loop3A_207] {strides = array<i32>} : memref<1280x32xf32, #tpu.memory_space<vmem>>, vector<1x16xf32>,
        %parallel_loop3A_209 = vector.shape_cast %parallel_loop3A_208 : vector<1x16xf32> to vector<16xf32>
        %parallel_loop3A_210 = arith.constant 12 : i32
        %parallel_loop3A_211 = arith.addi %parallel_loop3A_137, %parallel_loop3A_210 : i32
        %parallel_loop3A_212 = arith.index_cast %parallel_loop3A_211 : i32 to index
        %parallel_loop3A_213 = arith.constant 0 : index
        %parallel_loop3A_214 = tpu.vector_load %arg6[%parallel_loop3A_212, %parallel_loop3A_213] {strides = array<i32>} : memref<1280x32xf32, #tpu.memory_space<vmem>>, vector<1x16xf32>,
        %parallel_loop3A_215 = vector.shape_cast %parallel_loop3A_214 : vector<1x16xf32> to vector<16xf32>
        %parallel_loop3A_216 = arith.constant 13 : i32
        %parallel_loop3A_217 = arith.addi %parallel_loop3A_137, %parallel_loop3A_216 : i32
        %parallel_loop3A_218 = arith.index_cast %parallel_loop3A_217 : i32 to index
        %parallel_loop3A_219 = arith.constant 0 : index
        %parallel_loop3A_220 = tpu.vector_load %arg6[%parallel_loop3A_218, %parallel_loop3A_219] {strides = array<i32>} : memref<1280x32xf32, #tpu.memory_space<vmem>>, vector<1x16xf32>,
        %parallel_loop3A_221 = vector.shape_cast %parallel_loop3A_220 : vector<1x16xf32> to vector<16xf32>
        %parallel_loop3A_222 = arith.constant 14 : i32
        %parallel_loop3A_223 = arith.addi %parallel_loop3A_137, %parallel_loop3A_222 : i32
        %parallel_loop3A_224 = arith.index_cast %parallel_loop3A_223 : i32 to index
        %parallel_loop3A_225 = arith.constant 0 : index
        %parallel_loop3A_226 = tpu.vector_load %arg6[%parallel_loop3A_224, %parallel_loop3A_225] {strides = array<i32>} : memref<1280x32xf32, #tpu.memory_space<vmem>>, vector<1x16xf32>,
        %parallel_loop3A_227 = vector.shape_cast %parallel_loop3A_226 : vector<1x16xf32> to vector<16xf32>
        %parallel_loop3A_228 = arith.constant 15 : i32
        %parallel_loop3A_229 = arith.addi %parallel_loop3A_137, %parallel_loop3A_228 : i32
        %parallel_loop3A_230 = arith.index_cast %parallel_loop3A_229 : i32 to index
        %parallel_loop3A_231 = arith.constant 0 : index
        %parallel_loop3A_232 = tpu.vector_load %arg6[%parallel_loop3A_230, %parallel_loop3A_231] {strides = array<i32>} : memref<1280x32xf32, #tpu.memory_space<vmem>>, vector<1x16xf32>,
        %parallel_loop3A_233 = vector.shape_cast %parallel_loop3A_232 : vector<1x16xf32> to vector<16xf32>
        %parallel_loop3A_234 = arith.constant 16 : i32
        %parallel_loop3A_235 = arith.addi %parallel_loop3A_137, %parallel_loop3A_234 : i32
        %parallel_loop3A_236 = arith.index_cast %parallel_loop3A_235 : i32 to index
        %parallel_loop3A_237 = arith.constant 0 : index
        %parallel_loop3A_238 = tpu.vector_load %arg6[%parallel_loop3A_236, %parallel_loop3A_237] {strides = array<i32>} : memref<1280x32xf32, #tpu.memory_space<vmem>>, vector<1x16xf32>,
        %parallel_loop3A_239 = vector.shape_cast %parallel_loop3A_238 : vector<1x16xf32> to vector<16xf32>
        %parallel_loop3A_240 = arith.constant 17 : i32
        %parallel_loop3A_241 = arith.addi %parallel_loop3A_137, %parallel_loop3A_240 : i32
        %parallel_loop3A_242 = arith.index_cast %parallel_loop3A_241 : i32 to index
        %parallel_loop3A_243 = arith.constant 0 : index
        %parallel_loop3A_244 = tpu.vector_load %arg6[%parallel_loop3A_242, %parallel_loop3A_243] {strides = array<i32>} : memref<1280x32xf32, #tpu.memory_space<vmem>>, vector<1x16xf32>,
        %parallel_loop3A_245 = vector.shape_cast %parallel_loop3A_244 : vector<1x16xf32> to vector<16xf32>
        %parallel_loop3A_246 = arith.constant 18 : i32
        %parallel_loop3A_247 = arith.addi %parallel_loop3A_137, %parallel_loop3A_246 : i32
        %parallel_loop3A_248 = arith.index_cast %parallel_loop3A_247 : i32 to index
        %parallel_loop3A_249 = arith.constant 0 : index
        %parallel_loop3A_250 = tpu.vector_load %arg6[%parallel_loop3A_248, %parallel_loop3A_249] {strides = array<i32>} : memref<1280x32xf32, #tpu.memory_space<vmem>>, vector<1x16xf32>,
        %parallel_loop3A_251 = vector.shape_cast %parallel_loop3A_250 : vector<1x16xf32> to vector<16xf32>
        %parallel_loop3A_252 = arith.constant 19 : i32
        %parallel_loop3A_253 = arith.addi %parallel_loop3A_137, %parallel_loop3A_252 : i32
        %parallel_loop3A_254 = arith.index_cast %parallel_loop3A_253 : i32 to index
        %parallel_loop3A_255 = arith.constant 0 : index
        %parallel_loop3A_256 = tpu.vector_load %arg6[%parallel_loop3A_254, %parallel_loop3A_255] {strides = array<i32>} : memref<1280x32xf32, #tpu.memory_space<vmem>>, vector<1x16xf32>,
        %parallel_loop3A_257 = vector.shape_cast %parallel_loop3A_256 : vector<1x16xf32> to vector<16xf32>
        %parallel_loop3A_258 = arith.addf %parallel_loop3A_143, %parallel_loop3A_149 : vector<16xf32>
        %parallel_loop3A_259 = arith.addf %parallel_loop3A_155, %parallel_loop3A_161 : vector<16xf32>
        %parallel_loop3A_260 = arith.addf %parallel_loop3A_167, %parallel_loop3A_173 : vector<16xf32>
        %parallel_loop3A_261 = arith.addf %parallel_loop3A_179, %parallel_loop3A_185 : vector<16xf32>
        %parallel_loop3A_262 = arith.addf %parallel_loop3A_191, %parallel_loop3A_197 : vector<16xf32>
        %parallel_loop3A_263 = arith.addf %parallel_loop3A_203, %parallel_loop3A_209 : vector<16xf32>
        %parallel_loop3A_264 = arith.addf %parallel_loop3A_215, %parallel_loop3A_221 : vector<16xf32>
        %parallel_loop3A_265 = arith.addf %parallel_loop3A_227, %parallel_loop3A_233 : vector<16xf32>
        %parallel_loop3A_266 = arith.addf %parallel_loop3A_239, %parallel_loop3A_245 : vector<16xf32>
        %parallel_loop3A_267 = arith.addf %parallel_loop3A_251, %parallel_loop3A_257 : vector<16xf32>
        %parallel_loop3A_268 = arith.addf %parallel_loop3A_258, %parallel_loop3A_259 : vector<16xf32>
        %parallel_loop3A_269 = arith.addf %parallel_loop3A_260, %parallel_loop3A_261 : vector<16xf32>
        %parallel_loop3A_270 = arith.addf %parallel_loop3A_262, %parallel_loop3A_263 : vector<16xf32>
        %parallel_loop3A_271 = arith.addf %parallel_loop3A_264, %parallel_loop3A_265 : vector<16xf32>
        %parallel_loop3A_272 = arith.addf %parallel_loop3A_266, %parallel_loop3A_267 : vector<16xf32>
        %parallel_loop3A_273 = arith.addf %parallel_loop3A_268, %parallel_loop3A_269 : vector<16xf32>
        %parallel_loop3A_274 = arith.addf %parallel_loop3A_270, %parallel_loop3A_271 : vector<16xf32>
        %parallel_loop3A_275 = arith.addf %parallel_loop3A_273, %parallel_loop3A_274 : vector<16xf32>
        %parallel_loop3A_276 = arith.addf %parallel_loop3A_275, %parallel_loop3A_272 : vector<16xf32>
        %parallel_loop3A_277 = arith.index_cast %parallel_loop3A_135 : i32 to index
        %parallel_loop3A_278 = arith.constant 0 : index
        %parallel_loop3A_279 = tpu.vector_load %arg8[%parallel_loop3A_277, %parallel_loop3A_278] {strides = array<i32>} : memref<64x32xf32, #tpu.memory_space<vmem>>, vector<1x16xf32>,
        %parallel_loop3A_280 = vector.shape_cast %parallel_loop3A_279 : vector<1x16xf32> to vector<16xf32>
        %parallel_loop3A_281 = vector.shape_cast %parallel_loop3A_276 : vector<16xf32> to vector<1x16xf32>
        tpu.vector_store %arg8[%parallel_loop3A_277, %parallel_loop3A_278], %parallel_loop3A_281 {strides = array<i32>} : memref<64x32xf32, #tpu.memory_space<vmem>>, vector<1x16xf32>,
        %parallel_loop3A_282 = arith.constant 0 : i32
        %parallel_loop3A_283 = arith.addi %parallel_loop3A_137, %parallel_loop3A_282 : i32
        %parallel_loop3A_284 = arith.index_cast %parallel_loop3A_283 : i32 to index
        %parallel_loop3A_285 = arith.constant 16 : index
        %parallel_loop3A_286 = tpu.vector_load %arg6[%parallel_loop3A_284, %parallel_loop3A_285] {strides = array<i32>} : memref<1280x32xf32, #tpu.memory_space<vmem>>, vector<1x16xf32>,
        %parallel_loop3A_287 = vector.shape_cast %parallel_loop3A_286 : vector<1x16xf32> to vector<16xf32>
        %parallel_loop3A_288 = arith.constant 1 : i32
        %parallel_loop3A_289 = arith.addi %parallel_loop3A_137, %parallel_loop3A_288 : i32
        %parallel_loop3A_290 = arith.index_cast %parallel_loop3A_289 : i32 to index
        %parallel_loop3A_291 = arith.constant 16 : index
        %parallel_loop3A_292 = tpu.vector_load %arg6[%parallel_loop3A_290, %parallel_loop3A_291] {strides = array<i32>} : memref<1280x32xf32, #tpu.memory_space<vmem>>, vector<1x16xf32>,
        %parallel_loop3A_293 = vector.shape_cast %parallel_loop3A_292 : vector<1x16xf32> to vector<16xf32>
        %parallel_loop3A_294 = arith.constant 2 : i32
        %parallel_loop3A_295 = arith.addi %parallel_loop3A_137, %parallel_loop3A_294 : i32
        %parallel_loop3A_296 = arith.index_cast %parallel_loop3A_295 : i32 to index
        %parallel_loop3A_297 = arith.constant 16 : index
        %parallel_loop3A_298 = tpu.vector_load %arg6[%parallel_loop3A_296, %parallel_loop3A_297] {strides = array<i32>} : memref<1280x32xf32, #tpu.memory_space<vmem>>, vector<1x16xf32>,
        %parallel_loop3A_299 = vector.shape_cast %parallel_loop3A_298 : vector<1x16xf32> to vector<16xf32>
        %parallel_loop3A_300 = arith.constant 3 : i32
        %parallel_loop3A_301 = arith.addi %parallel_loop3A_137, %parallel_loop3A_300 : i32
        %parallel_loop3A_302 = arith.index_cast %parallel_loop3A_301 : i32 to index
        %parallel_loop3A_303 = arith.constant 16 : index
        %parallel_loop3A_304 = tpu.vector_load %arg6[%parallel_loop3A_302, %parallel_loop3A_303] {strides = array<i32>} : memref<1280x32xf32, #tpu.memory_space<vmem>>, vector<1x16xf32>,
        %parallel_loop3A_305 = vector.shape_cast %parallel_loop3A_304 : vector<1x16xf32> to vector<16xf32>
        %parallel_loop3A_306 = arith.constant 4 : i32
        %parallel_loop3A_307 = arith.addi %parallel_loop3A_137, %parallel_loop3A_306 : i32
        %parallel_loop3A_308 = arith.index_cast %parallel_loop3A_307 : i32 to index
        %parallel_loop3A_309 = arith.constant 16 : index
        %parallel_loop3A_310 = tpu.vector_load %arg6[%parallel_loop3A_308, %parallel_loop3A_309] {strides = array<i32>} : memref<1280x32xf32, #tpu.memory_space<vmem>>, vector<1x16xf32>,
        %parallel_loop3A_311 = vector.shape_cast %parallel_loop3A_310 : vector<1x16xf32> to vector<16xf32>
        %parallel_loop3A_312 = arith.constant 5 : i32
        %parallel_loop3A_313 = arith.addi %parallel_loop3A_137, %parallel_loop3A_312 : i32
        %parallel_loop3A_314 = arith.index_cast %parallel_loop3A_313 : i32 to index
        %parallel_loop3A_315 = arith.constant 16 : index
        %parallel_loop3A_316 = tpu.vector_load %arg6[%parallel_loop3A_314, %parallel_loop3A_315] {strides = array<i32>} : memref<1280x32xf32, #tpu.memory_space<vmem>>, vector<1x16xf32>,
        %parallel_loop3A_317 = vector.shape_cast %parallel_loop3A_316 : vector<1x16xf32> to vector<16xf32>
        %parallel_loop3A_318 = arith.constant 6 : i32
        %parallel_loop3A_319 = arith.addi %parallel_loop3A_137, %parallel_loop3A_318 : i32
        %parallel_loop3A_320 = arith.index_cast %parallel_loop3A_319 : i32 to index
        %parallel_loop3A_321 = arith.constant 16 : index
        %parallel_loop3A_322 = tpu.vector_load %arg6[%parallel_loop3A_320, %parallel_loop3A_321] {strides = array<i32>} : memref<1280x32xf32, #tpu.memory_space<vmem>>, vector<1x16xf32>,
        %parallel_loop3A_323 = vector.shape_cast %parallel_loop3A_322 : vector<1x16xf32> to vector<16xf32>
        %parallel_loop3A_324 = arith.constant 7 : i32
        %parallel_loop3A_325 = arith.addi %parallel_loop3A_137, %parallel_loop3A_324 : i32
        %parallel_loop3A_326 = arith.index_cast %parallel_loop3A_325 : i32 to index
        %parallel_loop3A_327 = arith.constant 16 : index
        %parallel_loop3A_328 = tpu.vector_load %arg6[%parallel_loop3A_326, %parallel_loop3A_327] {strides = array<i32>} : memref<1280x32xf32, #tpu.memory_space<vmem>>, vector<1x16xf32>,
        %parallel_loop3A_329 = vector.shape_cast %parallel_loop3A_328 : vector<1x16xf32> to vector<16xf32>
        %parallel_loop3A_330 = arith.constant 8 : i32
        %parallel_loop3A_331 = arith.addi %parallel_loop3A_137, %parallel_loop3A_330 : i32
        %parallel_loop3A_332 = arith.index_cast %parallel_loop3A_331 : i32 to index
        %parallel_loop3A_333 = arith.constant 16 : index
        %parallel_loop3A_334 = tpu.vector_load %arg6[%parallel_loop3A_332, %parallel_loop3A_333] {strides = array<i32>} : memref<1280x32xf32, #tpu.memory_space<vmem>>, vector<1x16xf32>,
        %parallel_loop3A_335 = vector.shape_cast %parallel_loop3A_334 : vector<1x16xf32> to vector<16xf32>
        %parallel_loop3A_336 = arith.constant 9 : i32
        %parallel_loop3A_337 = arith.addi %parallel_loop3A_137, %parallel_loop3A_336 : i32
        %parallel_loop3A_338 = arith.index_cast %parallel_loop3A_337 : i32 to index
        %parallel_loop3A_339 = arith.constant 16 : index
        %parallel_loop3A_340 = tpu.vector_load %arg6[%parallel_loop3A_338, %parallel_loop3A_339] {strides = array<i32>} : memref<1280x32xf32, #tpu.memory_space<vmem>>, vector<1x16xf32>,
        %parallel_loop3A_341 = vector.shape_cast %parallel_loop3A_340 : vector<1x16xf32> to vector<16xf32>
        %parallel_loop3A_342 = arith.constant 10 : i32
        %parallel_loop3A_343 = arith.addi %parallel_loop3A_137, %parallel_loop3A_342 : i32
        %parallel_loop3A_344 = arith.index_cast %parallel_loop3A_343 : i32 to index
        %parallel_loop3A_345 = arith.constant 16 : index
        %parallel_loop3A_346 = tpu.vector_load %arg6[%parallel_loop3A_344, %parallel_loop3A_345] {strides = array<i32>} : memref<1280x32xf32, #tpu.memory_space<vmem>>, vector<1x16xf32>,
        %parallel_loop3A_347 = vector.shape_cast %parallel_loop3A_346 : vector<1x16xf32> to vector<16xf32>
        %parallel_loop3A_348 = arith.constant 11 : i32
        %parallel_loop3A_349 = arith.addi %parallel_loop3A_137, %parallel_loop3A_348 : i32
        %parallel_loop3A_350 = arith.index_cast %parallel_loop3A_349 : i32 to index
        %parallel_loop3A_351 = arith.constant 16 : index
        %parallel_loop3A_352 = tpu.vector_load %arg6[%parallel_loop3A_350, %parallel_loop3A_351] {strides = array<i32>} : memref<1280x32xf32, #tpu.memory_space<vmem>>, vector<1x16xf32>,
        %parallel_loop3A_353 = vector.shape_cast %parallel_loop3A_352 : vector<1x16xf32> to vector<16xf32>
        %parallel_loop3A_354 = arith.constant 12 : i32
        %parallel_loop3A_355 = arith.addi %parallel_loop3A_137, %parallel_loop3A_354 : i32
        %parallel_loop3A_356 = arith.index_cast %parallel_loop3A_355 : i32 to index
        %parallel_loop3A_357 = arith.constant 16 : index
        %parallel_loop3A_358 = tpu.vector_load %arg6[%parallel_loop3A_356, %parallel_loop3A_357] {strides = array<i32>} : memref<1280x32xf32, #tpu.memory_space<vmem>>, vector<1x16xf32>,
        %parallel_loop3A_359 = vector.shape_cast %parallel_loop3A_358 : vector<1x16xf32> to vector<16xf32>
        %parallel_loop3A_360 = arith.constant 13 : i32
        %parallel_loop3A_361 = arith.addi %parallel_loop3A_137, %parallel_loop3A_360 : i32
        %parallel_loop3A_362 = arith.index_cast %parallel_loop3A_361 : i32 to index
        %parallel_loop3A_363 = arith.constant 16 : index
        %parallel_loop3A_364 = tpu.vector_load %arg6[%parallel_loop3A_362, %parallel_loop3A_363] {strides = array<i32>} : memref<1280x32xf32, #tpu.memory_space<vmem>>, vector<1x16xf32>,
        %parallel_loop3A_365 = vector.shape_cast %parallel_loop3A_364 : vector<1x16xf32> to vector<16xf32>
        %parallel_loop3A_366 = arith.constant 14 : i32
        %parallel_loop3A_367 = arith.addi %parallel_loop3A_137, %parallel_loop3A_366 : i32
        %parallel_loop3A_368 = arith.index_cast %parallel_loop3A_367 : i32 to index
        %parallel_loop3A_369 = arith.constant 16 : index
        %parallel_loop3A_370 = tpu.vector_load %arg6[%parallel_loop3A_368, %parallel_loop3A_369] {strides = array<i32>} : memref<1280x32xf32, #tpu.memory_space<vmem>>, vector<1x16xf32>,
        %parallel_loop3A_371 = vector.shape_cast %parallel_loop3A_370 : vector<1x16xf32> to vector<16xf32>
        %parallel_loop3A_372 = arith.constant 15 : i32
        %parallel_loop3A_373 = arith.addi %parallel_loop3A_137, %parallel_loop3A_372 : i32
        %parallel_loop3A_374 = arith.index_cast %parallel_loop3A_373 : i32 to index
        %parallel_loop3A_375 = arith.constant 16 : index
        %parallel_loop3A_376 = tpu.vector_load %arg6[%parallel_loop3A_374, %parallel_loop3A_375] {strides = array<i32>} : memref<1280x32xf32, #tpu.memory_space<vmem>>, vector<1x16xf32>,
        %parallel_loop3A_377 = vector.shape_cast %parallel_loop3A_376 : vector<1x16xf32> to vector<16xf32>
        %parallel_loop3A_378 = arith.constant 16 : i32
        %parallel_loop3A_379 = arith.addi %parallel_loop3A_137, %parallel_loop3A_378 : i32
        %parallel_loop3A_380 = arith.index_cast %parallel_loop3A_379 : i32 to index
        %parallel_loop3A_381 = arith.constant 16 : index
        %parallel_loop3A_382 = tpu.vector_load %arg6[%parallel_loop3A_380, %parallel_loop3A_381] {strides = array<i32>} : memref<1280x32xf32, #tpu.memory_space<vmem>>, vector<1x16xf32>,
        %parallel_loop3A_383 = vector.shape_cast %parallel_loop3A_382 : vector<1x16xf32> to vector<16xf32>
        %parallel_loop3A_384 = arith.constant 17 : i32
        %parallel_loop3A_385 = arith.addi %parallel_loop3A_137, %parallel_loop3A_384 : i32
        %parallel_loop3A_386 = arith.index_cast %parallel_loop3A_385 : i32 to index
        %parallel_loop3A_387 = arith.constant 16 : index
        %parallel_loop3A_388 = tpu.vector_load %arg6[%parallel_loop3A_386, %parallel_loop3A_387] {strides = array<i32>} : memref<1280x32xf32, #tpu.memory_space<vmem>>, vector<1x16xf32>,
        %parallel_loop3A_389 = vector.shape_cast %parallel_loop3A_388 : vector<1x16xf32> to vector<16xf32>
        %parallel_loop3A_390 = arith.constant 18 : i32
        %parallel_loop3A_391 = arith.addi %parallel_loop3A_137, %parallel_loop3A_390 : i32
        %parallel_loop3A_392 = arith.index_cast %parallel_loop3A_391 : i32 to index
        %parallel_loop3A_393 = arith.constant 16 : index
        %parallel_loop3A_394 = tpu.vector_load %arg6[%parallel_loop3A_392, %parallel_loop3A_393] {strides = array<i32>} : memref<1280x32xf32, #tpu.memory_space<vmem>>, vector<1x16xf32>,
        %parallel_loop3A_395 = vector.shape_cast %parallel_loop3A_394 : vector<1x16xf32> to vector<16xf32>
        %parallel_loop3A_396 = arith.constant 19 : i32
        %parallel_loop3A_397 = arith.addi %parallel_loop3A_137, %parallel_loop3A_396 : i32
        %parallel_loop3A_398 = arith.index_cast %parallel_loop3A_397 : i32 to index
        %parallel_loop3A_399 = arith.constant 16 : index
        %parallel_loop3A_400 = tpu.vector_load %arg6[%parallel_loop3A_398, %parallel_loop3A_399] {strides = array<i32>} : memref<1280x32xf32, #tpu.memory_space<vmem>>, vector<1x16xf32>,
        %parallel_loop3A_401 = vector.shape_cast %parallel_loop3A_400 : vector<1x16xf32> to vector<16xf32>
        %parallel_loop3A_402 = arith.addf %parallel_loop3A_287, %parallel_loop3A_293 : vector<16xf32>
        %parallel_loop3A_403 = arith.addf %parallel_loop3A_299, %parallel_loop3A_305 : vector<16xf32>
        %parallel_loop3A_404 = arith.addf %parallel_loop3A_311, %parallel_loop3A_317 : vector<16xf32>
        %parallel_loop3A_405 = arith.addf %parallel_loop3A_323, %parallel_loop3A_329 : vector<16xf32>
        %parallel_loop3A_406 = arith.addf %parallel_loop3A_335, %parallel_loop3A_341 : vector<16xf32>
        %parallel_loop3A_407 = arith.addf %parallel_loop3A_347, %parallel_loop3A_353 : vector<16xf32>
        %parallel_loop3A_408 = arith.addf %parallel_loop3A_359, %parallel_loop3A_365 : vector<16xf32>
        %parallel_loop3A_409 = arith.addf %parallel_loop3A_371, %parallel_loop3A_377 : vector<16xf32>
        %parallel_loop3A_410 = arith.addf %parallel_loop3A_383, %parallel_loop3A_389 : vector<16xf32>
        %parallel_loop3A_411 = arith.addf %parallel_loop3A_395, %parallel_loop3A_401 : vector<16xf32>
        %parallel_loop3A_412 = arith.addf %parallel_loop3A_402, %parallel_loop3A_403 : vector<16xf32>
        %parallel_loop3A_413 = arith.addf %parallel_loop3A_404, %parallel_loop3A_405 : vector<16xf32>
        %parallel_loop3A_414 = arith.addf %parallel_loop3A_406, %parallel_loop3A_407 : vector<16xf32>
        %parallel_loop3A_415 = arith.addf %parallel_loop3A_408, %parallel_loop3A_409 : vector<16xf32>
        %parallel_loop3A_416 = arith.addf %parallel_loop3A_410, %parallel_loop3A_411 : vector<16xf32>
        %parallel_loop3A_417 = arith.addf %parallel_loop3A_412, %parallel_loop3A_413 : vector<16xf32>
        %parallel_loop3A_418 = arith.addf %parallel_loop3A_414, %parallel_loop3A_415 : vector<16xf32>
        %parallel_loop3A_419 = arith.addf %parallel_loop3A_417, %parallel_loop3A_418 : vector<16xf32>
        %parallel_loop3A_420 = arith.addf %parallel_loop3A_419, %parallel_loop3A_416 : vector<16xf32>
        %parallel_loop3A_421 = arith.index_cast %parallel_loop3A_135 : i32 to index
        %parallel_loop3A_422 = arith.constant 16 : index
        %parallel_loop3A_423 = tpu.vector_load %arg8[%parallel_loop3A_421, %parallel_loop3A_422] {strides = array<i32>} : memref<64x32xf32, #tpu.memory_space<vmem>>, vector<1x16xf32>,
        %parallel_loop3A_424 = vector.shape_cast %parallel_loop3A_423 : vector<1x16xf32> to vector<16xf32>
        %parallel_loop3A_425 = vector.shape_cast %parallel_loop3A_420 : vector<16xf32> to vector<1x16xf32>
        tpu.vector_store %arg8[%parallel_loop3A_421, %parallel_loop3A_422], %parallel_loop3A_425 {strides = array<i32>} : memref<64x32xf32, #tpu.memory_space<vmem>>, vector<1x16xf32>,
      } {sc.loop_unroll_factor = 2 : i64, sc.parallel_access}
      %mul3A_65 = arith.constant 13312 : i32
      %mul3A_66 = arith.muli %add3A, %mul3A_65 : i32
      %mul3A_67 = arith.constant 64 : i32
      %mul3A_68 = arith.muli %add3A_27, %mul3A_67 : i32
      %add3A_69 = arith.addi %mul3A_66, %mul3A_68 : i32
      %dma_start3A_70 = arith.constant 0 : i32
      %dma_start3A_71 = tpu.memref_slice %arg4[%add3A_69, %dma_start3A_70] : memref<425984x32xf32, #tpu.memory_space<hbm>> -> memref<64x32xf32, #tpu.memory_space<hbm>>
      %dma_start3A_72 = arith.constant 0 : i32
      %dma_start3A_73 = tpu.memref_slice %arg4[%add3A_69, %dma_start3A_72] : memref<425984x32xf32, #tpu.memory_space<hbm>> -> memref<64x32xf32, #tpu.memory_space<hbm>>
      tpu.enqueue_dma source(%arg8 : memref<64x32xf32, #tpu.memory_space<vmem>>) target(%dma_start3A_73 : memref<64x32xf32, #tpu.memory_space<hbm>>) target_semaphore(%arg12 : memref<!tpu.dma_semaphore, #tpu.memory_space<semaphore_mem>>)
      %mul3A_74 = arith.constant 2 : i32
      %mul3A_75 = arith.muli %mul3A_74, %scan3A_23 : i32
      %add3A_76 = arith.constant 1 : i32
      %add3A_77 = arith.addi %mul3A_75, %add3A_76 : i32
      %dma_wait3A_78 = arith.constant 0 : i32
      %dma_wait3A_79 = arith.constant 0 : i32
      %dma_wait3A_80 = tpu.memref_slice %arg5[%dma_wait3A_78, %dma_wait3A_79] : memref<8x1280xi32, #tpu.memory_space<vmem>> -> memref<1x1280xi32, #tpu.memory_space<vmem>>
      %dma_wait3A_81 = tpu.memref_squeeze %dma_wait3A_80 : memref<1x1280xi32, #tpu.memory_space<vmem>> -> memref<1280xi32, #tpu.memory_space<vmem>>
      %dma_wait3A_82 = arith.constant 0 : i32
      %dma_wait3A_83 = arith.constant 0 : i32
      %dma_wait3A_84 = tpu.memref_slice %arg3[%dma_wait3A_82, %dma_wait3A_83] : memref<1000000x32xf32, #tpu.memory_space<hbm>> -> memref<1000000x32xf32, #tpu.memory_space<hbm>>
      tpu.wait_indirect_dma semaphore(%arg11 : memref<!tpu.dma_semaphore, #tpu.memory_space<semaphore_mem>>) src(%dma_wait3A_84 : memref<1000000x32xf32, #tpu.memory_space<hbm>>) dst(%arg7 : memref<1280x32xf32, #tpu.memory_space<vmem>>)
      %jit3A_85 = arith.constant 8 : i32
      %eq3A_86 = arith.constant 0 : i32
      %eq3A_87 = arith.cmpi eq, %jit3A_85, %eq3A_86 : i32
      %jit3A_88 = arith.constant 1 : i32
      %select_n3A_89 = arith.select %eq3A_87, %jit3A_88, %jit3A_85 : i32
      %rem3A_90 = arith.remsi %add3A_77, %select_n3A_89 : i32
      %ne3A_91 = arith.constant 0 : i32
      %ne3A_92 = arith.cmpi ne, %rem3A_90, %ne3A_91 : i32
      %lt3A_93 = arith.constant 0 : i32
      %lt3A_94 = arith.cmpi slt, %rem3A_90, %lt3A_93 : i32
      %lt3A_95 = arith.constant 0 : i32
      %lt3A_96 = arith.cmpi slt, %select_n3A_89, %lt3A_95 : i32
      %ne3A_97 = arith.xori %lt3A_94, %lt3A_96 : i1
      %and3A_98 = arith.andi %ne3A_97, %ne3A_92 : i1
      %add3A_99 = arith.addi %rem3A_90, %select_n3A_89 : i32
      %select_n3A_100 = arith.select %and3A_98, %add3A_99, %rem3A_90 : i32
      %eq3A_101 = arith.constant 7 : i32
      %eq3A_102 = arith.cmpi eq, %select_n3A_100, %eq3A_101 : i32
      %add3A_103 = arith.constant 1 : i32
      %add3A_104 = arith.addi %add3A_77, %add3A_103 : i32
      %lt3A_105 = arith.constant 208 : i32
      %lt3A_106 = arith.cmpi slt, %add3A_104, %lt3A_105 : i32
      %and3A_107 = arith.andi %eq3A_102, %lt3A_106 : i1
      %convert_element_type3A_108 = arith.extui %and3A_107 : i1 to i32
      %cond3A_109 = arith.constant 0 : i32
      %cond3A_110 = arith.cmpi ne, %convert_element_type3A_108, %cond3A_109 : i32
      scf.if %cond3A_110 {
        %add3A_135 = arith.constant 1 : i32
        %add3A_136 = arith.addi %add3A_77, %add3A_135 : i32
        %jit3A_137 = arith.constant 8 : i32
        %div3A = arith.divsi %add3A_136, %jit3A_137 : i32
        %sign3A = arith.constant 0 : i32
        %sign3A_138 = arith.cmpi sgt, %add3A_136, %sign3A : i32
        %sign3A_139 = arith.extui %sign3A_138 : i1 to i32
        %sign3A_140 = arith.constant 0 : i32
        %sign3A_141 = arith.cmpi slt, %add3A_136, %sign3A_140 : i32
        %sign3A_142 = arith.extui %sign3A_141 : i1 to i32
        %sign3A_143 = arith.subi %sign3A_139, %sign3A_142 : i32
        %sign3A_144 = arith.constant 0 : i32
        %sign3A_145 = arith.cmpi sgt, %jit3A_137, %sign3A_144 : i32
        %sign3A_146 = arith.extui %sign3A_145 : i1 to i32
        %sign3A_147 = arith.constant 0 : i32
        %sign3A_148 = arith.cmpi slt, %jit3A_137, %sign3A_147 : i32
        %sign3A_149 = arith.extui %sign3A_148 : i1 to i32
        %sign3A_150 = arith.subi %sign3A_146, %sign3A_149 : i32
        %ne3A_151 = arith.cmpi ne, %sign3A_143, %sign3A_150 : i32
        %rem3A_152 = arith.remsi %add3A_136, %jit3A_137 : i32
        %ne3A_153 = arith.constant 0 : i32
        %ne3A_154 = arith.cmpi ne, %rem3A_152, %ne3A_153 : i32
        %and3A_155 = arith.andi %ne3A_151, %ne3A_154 : i1
        %sub3A = arith.constant 1 : i32
        %sub3A_156 = arith.subi %div3A, %sub3A : i32
        %select_n3A_157 = arith.select %and3A_155, %sub3A_156, %div3A : i32
        "tpu.region"() ({
          %run_scoped3A_158 = tpu.sem_alloc : memref<!tpu.dma_semaphore, #tpu.memory_space<semaphore_mem>>
          %dma_start3A_159 = arith.constant 0 : i32
          %dma_start3A_160 = arith.constant 0 : i32
          %dma_start3A_161 = tpu.memref_slice %arg2[%add3A, %select_n3A_157, %dma_start3A_159, %dma_start3A_160] : memref<32x26x8x1280xi32, #tpu.memory_space<hbm>> -> memref<1x1x8x1280xi32, #tpu.memory_space<hbm>>
          %dma_start3A_162 = tpu.memref_squeeze %dma_start3A_161 : memref<1x1x8x1280xi32, #tpu.memory_space<hbm>> -> memref<8x1280xi32, #tpu.memory_space<hbm>>
          %dma_start3A_163 = arith.constant 0 : i32
          %dma_start3A_164 = arith.constant 0 : i32
          %dma_start3A_165 = tpu.memref_slice %arg2[%add3A, %select_n3A_157, %dma_start3A_163, %dma_start3A_164] : memref<32x26x8x1280xi32, #tpu.memory_space<hbm>> -> memref<1x1x8x1280xi32, #tpu.memory_space<hbm>>
          %dma_start3A_166 = tpu.memref_squeeze %dma_start3A_165 : memref<1x1x8x1280xi32, #tpu.memory_space<hbm>> -> memref<8x1280xi32, #tpu.memory_space<hbm>>
          tpu.enqueue_dma source(%dma_start3A_166 : memref<8x1280xi32, #tpu.memory_space<hbm>>) target(%arg5 : memref<8x1280xi32, #tpu.memory_space<vmem>>) target_semaphore(%run_scoped3A_158 : memref<!tpu.dma_semaphore, #tpu.memory_space<semaphore_mem>>)
          %dma_wait3A_167 = arith.constant 0 : i32
          %dma_wait3A_168 = arith.constant 0 : i32
          %dma_wait3A_169 = tpu.memref_slice %arg2[%add3A, %select_n3A_157, %dma_wait3A_167, %dma_wait3A_168] : memref<32x26x8x1280xi32, #tpu.memory_space<hbm>> -> memref<1x1x8x1280xi32, #tpu.memory_space<hbm>>
          %dma_wait3A_170 = tpu.memref_squeeze %dma_wait3A_169 : memref<1x1x8x1280xi32, #tpu.memory_space<hbm>> -> memref<8x1280xi32, #tpu.memory_space<hbm>>
          %dma_wait3A_171 = arith.constant 0 : i32
          %dma_wait3A_172 = arith.constant 0 : i32
          %dma_wait3A_173 = tpu.memref_slice %arg2[%add3A, %select_n3A_157, %dma_wait3A_171, %dma_wait3A_172] : memref<32x26x8x1280xi32, #tpu.memory_space<hbm>> -> memref<1x1x8x1280xi32, #tpu.memory_space<hbm>>
          %dma_wait3A_174 = tpu.memref_squeeze %dma_wait3A_173 : memref<1x1x8x1280xi32, #tpu.memory_space<hbm>> -> memref<8x1280xi32, #tpu.memory_space<hbm>>
          tpu.wait_dma2 semaphore(%run_scoped3A_158 : memref<!tpu.dma_semaphore, #tpu.memory_space<semaphore_mem>>) src(%dma_wait3A_174 : memref<8x1280xi32, #tpu.memory_space<hbm>>) dst(%arg5 : memref<8x1280xi32, #tpu.memory_space<vmem>>)
          tpu.yield
        }) : () -> ()
      } else {
      }
      %add3A_111 = arith.constant 1 : i32
      %add3A_112 = arith.addi %add3A_77, %add3A_111 : i32
      %lt3A_113 = arith.constant 208 : i32
      %lt3A_114 = arith.cmpi slt, %add3A_112, %lt3A_113 : i32
      %convert_element_type3A_115 = arith.extui %lt3A_114 : i1 to i32
      %cond3A_116 = arith.constant 0 : i32
      %cond3A_117 = arith.cmpi ne, %convert_element_type3A_115, %cond3A_116 : i32
      scf.if %cond3A_117 {
        %add3A_135 = arith.constant 1 : i32
        %add3A_136 = arith.addi %add3A_77, %add3A_135 : i32
        %jit3A_137 = arith.constant 8 : i32
        %eq3A_138 = arith.constant 0 : i32
        %eq3A_139 = arith.cmpi eq, %jit3A_137, %eq3A_138 : i32
        %jit3A_140 = arith.constant 1 : i32
        %select_n3A_141 = arith.select %eq3A_139, %jit3A_140, %jit3A_137 : i32
        %rem3A_142 = arith.remsi %add3A_136, %select_n3A_141 : i32
        %ne3A_143 = arith.constant 0 : i32
        %ne3A_144 = arith.cmpi ne, %rem3A_142, %ne3A_143 : i32
        %lt3A_145 = arith.constant 0 : i32
        %lt3A_146 = arith.cmpi slt, %rem3A_142, %lt3A_145 : i32
        %lt3A_147 = arith.constant 0 : i32
        %lt3A_148 = arith.cmpi slt, %select_n3A_141, %lt3A_147 : i32
        %ne3A_149 = arith.xori %lt3A_146, %lt3A_148 : i1
        %and3A_150 = arith.andi %ne3A_149, %ne3A_144 : i1
        %add3A_151 = arith.addi %rem3A_142, %select_n3A_141 : i32
        %select_n3A_152 = arith.select %and3A_150, %add3A_151, %rem3A_142 : i32
        %dma_start3A_153 = arith.constant 0 : i32
        %dma_start3A_154 = tpu.memref_slice %arg5[%select_n3A_152, %dma_start3A_153] : memref<8x1280xi32, #tpu.memory_space<vmem>> -> memref<1x1280xi32, #tpu.memory_space<vmem>>
        %dma_start3A_155 = tpu.memref_squeeze %dma_start3A_154 : memref<1x1280xi32, #tpu.memory_space<vmem>> -> memref<1280xi32, #tpu.memory_space<vmem>>
        %dma_start3A_156 = arith.constant 0 : i32
        %dma_start3A_157 = arith.constant 0 : i32
        %dma_start3A_158 = tpu.memref_slice %arg3[%dma_start3A_156, %dma_start3A_157] : memref<1000000x32xf32, #tpu.memory_space<hbm>> -> memref<1000000x32xf32, #tpu.memory_space<hbm>>
        tpu.enqueue_indirect_dma source(%dma_start3A_158 : memref<1000000x32xf32, #tpu.memory_space<hbm>>) target(%arg6 : memref<1280x32xf32, #tpu.memory_space<vmem>>) offsets(%dma_start3A_155 : memref<1280xi32, #tpu.memory_space<vmem>>) semaphore(%arg10 : memref<!tpu.dma_semaphore, #tpu.memory_space<semaphore_mem>>)
      } else {
      }
      %ge3A_118 = arith.constant 2 : i32
      %ge3A_119 = arith.cmpi sge, %add3A_77, %ge3A_118 : i32
      %convert_element_type3A_120 = arith.extui %ge3A_119 : i1 to i32
      %cond3A_121 = arith.constant 0 : i32
      %cond3A_122 = arith.cmpi ne, %convert_element_type3A_120, %cond3A_121 : i32
      scf.if %cond3A_122 {
        %dma_wait3A_135 = arith.constant 0 : i32
        %dma_wait3A_136 = arith.constant 0 : i32
        %dma_wait3A_137 = tpu.memref_slice %arg4[%dma_wait3A_135, %dma_wait3A_136] : memref<425984x32xf32, #tpu.memory_space<hbm>> -> memref<64x32xf32, #tpu.memory_space<hbm>>
        %dma_wait3A_138 = arith.constant 0 : i32
        %dma_wait3A_139 = arith.constant 0 : i32
        %dma_wait3A_140 = tpu.memref_slice %arg4[%dma_wait3A_138, %dma_wait3A_139] : memref<425984x32xf32, #tpu.memory_space<hbm>> -> memref<64x32xf32, #tpu.memory_space<hbm>>
        tpu.wait_dma2 semaphore(%arg13 : memref<!tpu.dma_semaphore, #tpu.memory_space<semaphore_mem>>) src(%arg9 : memref<64x32xf32, #tpu.memory_space<vmem>>) dst(%dma_wait3A_140 : memref<64x32xf32, #tpu.memory_space<hbm>>)
      } else {
      }
      %parallel_loop3A_123 = arith.constant 0 : i32
      %parallel_loop3A_124 = arith.constant 64 : i32
      %parallel_loop3A_125 = arith.constant 1 : i32
      scf.for %parallel_loop3A_135 = %parallel_loop3A_123 to %parallel_loop3A_124 step %parallel_loop3A_125  : i32 {
        %parallel_loop3A_136 = arith.constant 20 : i32
        %parallel_loop3A_137 = arith.muli %parallel_loop3A_135, %parallel_loop3A_136 : i32
        %parallel_loop3A_138 = arith.constant 0 : i32
        %parallel_loop3A_139 = arith.addi %parallel_loop3A_137, %parallel_loop3A_138 : i32
        %parallel_loop3A_140 = arith.index_cast %parallel_loop3A_139 : i32 to index
        %parallel_loop3A_141 = arith.constant 0 : index
        %parallel_loop3A_142 = tpu.vector_load %arg7[%parallel_loop3A_140, %parallel_loop3A_141] {strides = array<i32>} : memref<1280x32xf32, #tpu.memory_space<vmem>>, vector<1x16xf32>,
        %parallel_loop3A_143 = vector.shape_cast %parallel_loop3A_142 : vector<1x16xf32> to vector<16xf32>
        %parallel_loop3A_144 = arith.constant 1 : i32
        %parallel_loop3A_145 = arith.addi %parallel_loop3A_137, %parallel_loop3A_144 : i32
        %parallel_loop3A_146 = arith.index_cast %parallel_loop3A_145 : i32 to index
        %parallel_loop3A_147 = arith.constant 0 : index
        %parallel_loop3A_148 = tpu.vector_load %arg7[%parallel_loop3A_146, %parallel_loop3A_147] {strides = array<i32>} : memref<1280x32xf32, #tpu.memory_space<vmem>>, vector<1x16xf32>,
        %parallel_loop3A_149 = vector.shape_cast %parallel_loop3A_148 : vector<1x16xf32> to vector<16xf32>
        %parallel_loop3A_150 = arith.constant 2 : i32
        %parallel_loop3A_151 = arith.addi %parallel_loop3A_137, %parallel_loop3A_150 : i32
        %parallel_loop3A_152 = arith.index_cast %parallel_loop3A_151 : i32 to index
        %parallel_loop3A_153 = arith.constant 0 : index
        %parallel_loop3A_154 = tpu.vector_load %arg7[%parallel_loop3A_152, %parallel_loop3A_153] {strides = array<i32>} : memref<1280x32xf32, #tpu.memory_space<vmem>>, vector<1x16xf32>,
        %parallel_loop3A_155 = vector.shape_cast %parallel_loop3A_154 : vector<1x16xf32> to vector<16xf32>
        %parallel_loop3A_156 = arith.constant 3 : i32
        %parallel_loop3A_157 = arith.addi %parallel_loop3A_137, %parallel_loop3A_156 : i32
        %parallel_loop3A_158 = arith.index_cast %parallel_loop3A_157 : i32 to index
        %parallel_loop3A_159 = arith.constant 0 : index
        %parallel_loop3A_160 = tpu.vector_load %arg7[%parallel_loop3A_158, %parallel_loop3A_159] {strides = array<i32>} : memref<1280x32xf32, #tpu.memory_space<vmem>>, vector<1x16xf32>,
        %parallel_loop3A_161 = vector.shape_cast %parallel_loop3A_160 : vector<1x16xf32> to vector<16xf32>
        %parallel_loop3A_162 = arith.constant 4 : i32
        %parallel_loop3A_163 = arith.addi %parallel_loop3A_137, %parallel_loop3A_162 : i32
        %parallel_loop3A_164 = arith.index_cast %parallel_loop3A_163 : i32 to index
        %parallel_loop3A_165 = arith.constant 0 : index
        %parallel_loop3A_166 = tpu.vector_load %arg7[%parallel_loop3A_164, %parallel_loop3A_165] {strides = array<i32>} : memref<1280x32xf32, #tpu.memory_space<vmem>>, vector<1x16xf32>,
        %parallel_loop3A_167 = vector.shape_cast %parallel_loop3A_166 : vector<1x16xf32> to vector<16xf32>
        %parallel_loop3A_168 = arith.constant 5 : i32
        %parallel_loop3A_169 = arith.addi %parallel_loop3A_137, %parallel_loop3A_168 : i32
        %parallel_loop3A_170 = arith.index_cast %parallel_loop3A_169 : i32 to index
        %parallel_loop3A_171 = arith.constant 0 : index
        %parallel_loop3A_172 = tpu.vector_load %arg7[%parallel_loop3A_170, %parallel_loop3A_171] {strides = array<i32>} : memref<1280x32xf32, #tpu.memory_space<vmem>>, vector<1x16xf32>,
        %parallel_loop3A_173 = vector.shape_cast %parallel_loop3A_172 : vector<1x16xf32> to vector<16xf32>
        %parallel_loop3A_174 = arith.constant 6 : i32
        %parallel_loop3A_175 = arith.addi %parallel_loop3A_137, %parallel_loop3A_174 : i32
        %parallel_loop3A_176 = arith.index_cast %parallel_loop3A_175 : i32 to index
        %parallel_loop3A_177 = arith.constant 0 : index
        %parallel_loop3A_178 = tpu.vector_load %arg7[%parallel_loop3A_176, %parallel_loop3A_177] {strides = array<i32>} : memref<1280x32xf32, #tpu.memory_space<vmem>>, vector<1x16xf32>,
        %parallel_loop3A_179 = vector.shape_cast %parallel_loop3A_178 : vector<1x16xf32> to vector<16xf32>
        %parallel_loop3A_180 = arith.constant 7 : i32
        %parallel_loop3A_181 = arith.addi %parallel_loop3A_137, %parallel_loop3A_180 : i32
        %parallel_loop3A_182 = arith.index_cast %parallel_loop3A_181 : i32 to index
        %parallel_loop3A_183 = arith.constant 0 : index
        %parallel_loop3A_184 = tpu.vector_load %arg7[%parallel_loop3A_182, %parallel_loop3A_183] {strides = array<i32>} : memref<1280x32xf32, #tpu.memory_space<vmem>>, vector<1x16xf32>,
        %parallel_loop3A_185 = vector.shape_cast %parallel_loop3A_184 : vector<1x16xf32> to vector<16xf32>
        %parallel_loop3A_186 = arith.constant 8 : i32
        %parallel_loop3A_187 = arith.addi %parallel_loop3A_137, %parallel_loop3A_186 : i32
        %parallel_loop3A_188 = arith.index_cast %parallel_loop3A_187 : i32 to index
        %parallel_loop3A_189 = arith.constant 0 : index
        %parallel_loop3A_190 = tpu.vector_load %arg7[%parallel_loop3A_188, %parallel_loop3A_189] {strides = array<i32>} : memref<1280x32xf32, #tpu.memory_space<vmem>>, vector<1x16xf32>,
        %parallel_loop3A_191 = vector.shape_cast %parallel_loop3A_190 : vector<1x16xf32> to vector<16xf32>
        %parallel_loop3A_192 = arith.constant 9 : i32
        %parallel_loop3A_193 = arith.addi %parallel_loop3A_137, %parallel_loop3A_192 : i32
        %parallel_loop3A_194 = arith.index_cast %parallel_loop3A_193 : i32 to index
        %parallel_loop3A_195 = arith.constant 0 : index
        %parallel_loop3A_196 = tpu.vector_load %arg7[%parallel_loop3A_194, %parallel_loop3A_195] {strides = array<i32>} : memref<1280x32xf32, #tpu.memory_space<vmem>>, vector<1x16xf32>,
        %parallel_loop3A_197 = vector.shape_cast %parallel_loop3A_196 : vector<1x16xf32> to vector<16xf32>
        %parallel_loop3A_198 = arith.constant 10 : i32
        %parallel_loop3A_199 = arith.addi %parallel_loop3A_137, %parallel_loop3A_198 : i32
        %parallel_loop3A_200 = arith.index_cast %parallel_loop3A_199 : i32 to index
        %parallel_loop3A_201 = arith.constant 0 : index
        %parallel_loop3A_202 = tpu.vector_load %arg7[%parallel_loop3A_200, %parallel_loop3A_201] {strides = array<i32>} : memref<1280x32xf32, #tpu.memory_space<vmem>>, vector<1x16xf32>,
        %parallel_loop3A_203 = vector.shape_cast %parallel_loop3A_202 : vector<1x16xf32> to vector<16xf32>
        %parallel_loop3A_204 = arith.constant 11 : i32
        %parallel_loop3A_205 = arith.addi %parallel_loop3A_137, %parallel_loop3A_204 : i32
        %parallel_loop3A_206 = arith.index_cast %parallel_loop3A_205 : i32 to index
        %parallel_loop3A_207 = arith.constant 0 : index
        %parallel_loop3A_208 = tpu.vector_load %arg7[%parallel_loop3A_206, %parallel_loop3A_207] {strides = array<i32>} : memref<1280x32xf32, #tpu.memory_space<vmem>>, vector<1x16xf32>,
        %parallel_loop3A_209 = vector.shape_cast %parallel_loop3A_208 : vector<1x16xf32> to vector<16xf32>
        %parallel_loop3A_210 = arith.constant 12 : i32
        %parallel_loop3A_211 = arith.addi %parallel_loop3A_137, %parallel_loop3A_210 : i32
        %parallel_loop3A_212 = arith.index_cast %parallel_loop3A_211 : i32 to index
        %parallel_loop3A_213 = arith.constant 0 : index
        %parallel_loop3A_214 = tpu.vector_load %arg7[%parallel_loop3A_212, %parallel_loop3A_213] {strides = array<i32>} : memref<1280x32xf32, #tpu.memory_space<vmem>>, vector<1x16xf32>,
        %parallel_loop3A_215 = vector.shape_cast %parallel_loop3A_214 : vector<1x16xf32> to vector<16xf32>
        %parallel_loop3A_216 = arith.constant 13 : i32
        %parallel_loop3A_217 = arith.addi %parallel_loop3A_137, %parallel_loop3A_216 : i32
        %parallel_loop3A_218 = arith.index_cast %parallel_loop3A_217 : i32 to index
        %parallel_loop3A_219 = arith.constant 0 : index
        %parallel_loop3A_220 = tpu.vector_load %arg7[%parallel_loop3A_218, %parallel_loop3A_219] {strides = array<i32>} : memref<1280x32xf32, #tpu.memory_space<vmem>>, vector<1x16xf32>,
        %parallel_loop3A_221 = vector.shape_cast %parallel_loop3A_220 : vector<1x16xf32> to vector<16xf32>
        %parallel_loop3A_222 = arith.constant 14 : i32
        %parallel_loop3A_223 = arith.addi %parallel_loop3A_137, %parallel_loop3A_222 : i32
        %parallel_loop3A_224 = arith.index_cast %parallel_loop3A_223 : i32 to index
        %parallel_loop3A_225 = arith.constant 0 : index
        %parallel_loop3A_226 = tpu.vector_load %arg7[%parallel_loop3A_224, %parallel_loop3A_225] {strides = array<i32>} : memref<1280x32xf32, #tpu.memory_space<vmem>>, vector<1x16xf32>,
        %parallel_loop3A_227 = vector.shape_cast %parallel_loop3A_226 : vector<1x16xf32> to vector<16xf32>
        %parallel_loop3A_228 = arith.constant 15 : i32
        %parallel_loop3A_229 = arith.addi %parallel_loop3A_137, %parallel_loop3A_228 : i32
        %parallel_loop3A_230 = arith.index_cast %parallel_loop3A_229 : i32 to index
        %parallel_loop3A_231 = arith.constant 0 : index
        %parallel_loop3A_232 = tpu.vector_load %arg7[%parallel_loop3A_230, %parallel_loop3A_231] {strides = array<i32>} : memref<1280x32xf32, #tpu.memory_space<vmem>>, vector<1x16xf32>,
        %parallel_loop3A_233 = vector.shape_cast %parallel_loop3A_232 : vector<1x16xf32> to vector<16xf32>
        %parallel_loop3A_234 = arith.constant 16 : i32
        %parallel_loop3A_235 = arith.addi %parallel_loop3A_137, %parallel_loop3A_234 : i32
        %parallel_loop3A_236 = arith.index_cast %parallel_loop3A_235 : i32 to index
        %parallel_loop3A_237 = arith.constant 0 : index
        %parallel_loop3A_238 = tpu.vector_load %arg7[%parallel_loop3A_236, %parallel_loop3A_237] {strides = array<i32>} : memref<1280x32xf32, #tpu.memory_space<vmem>>, vector<1x16xf32>,
        %parallel_loop3A_239 = vector.shape_cast %parallel_loop3A_238 : vector<1x16xf32> to vector<16xf32>
        %parallel_loop3A_240 = arith.constant 17 : i32
        %parallel_loop3A_241 = arith.addi %parallel_loop3A_137, %parallel_loop3A_240 : i32
        %parallel_loop3A_242 = arith.index_cast %parallel_loop3A_241 : i32 to index
        %parallel_loop3A_243 = arith.constant 0 : index
        %parallel_loop3A_244 = tpu.vector_load %arg7[%parallel_loop3A_242, %parallel_loop3A_243] {strides = array<i32>} : memref<1280x32xf32, #tpu.memory_space<vmem>>, vector<1x16xf32>,
        %parallel_loop3A_245 = vector.shape_cast %parallel_loop3A_244 : vector<1x16xf32> to vector<16xf32>
        %parallel_loop3A_246 = arith.constant 18 : i32
        %parallel_loop3A_247 = arith.addi %parallel_loop3A_137, %parallel_loop3A_246 : i32
        %parallel_loop3A_248 = arith.index_cast %parallel_loop3A_247 : i32 to index
        %parallel_loop3A_249 = arith.constant 0 : index
        %parallel_loop3A_250 = tpu.vector_load %arg7[%parallel_loop3A_248, %parallel_loop3A_249] {strides = array<i32>} : memref<1280x32xf32, #tpu.memory_space<vmem>>, vector<1x16xf32>,
        %parallel_loop3A_251 = vector.shape_cast %parallel_loop3A_250 : vector<1x16xf32> to vector<16xf32>
        %parallel_loop3A_252 = arith.constant 19 : i32
        %parallel_loop3A_253 = arith.addi %parallel_loop3A_137, %parallel_loop3A_252 : i32
        %parallel_loop3A_254 = arith.index_cast %parallel_loop3A_253 : i32 to index
        %parallel_loop3A_255 = arith.constant 0 : index
        %parallel_loop3A_256 = tpu.vector_load %arg7[%parallel_loop3A_254, %parallel_loop3A_255] {strides = array<i32>} : memref<1280x32xf32, #tpu.memory_space<vmem>>, vector<1x16xf32>,
        %parallel_loop3A_257 = vector.shape_cast %parallel_loop3A_256 : vector<1x16xf32> to vector<16xf32>
        %parallel_loop3A_258 = arith.addf %parallel_loop3A_143, %parallel_loop3A_149 : vector<16xf32>
        %parallel_loop3A_259 = arith.addf %parallel_loop3A_155, %parallel_loop3A_161 : vector<16xf32>
        %parallel_loop3A_260 = arith.addf %parallel_loop3A_167, %parallel_loop3A_173 : vector<16xf32>
        %parallel_loop3A_261 = arith.addf %parallel_loop3A_179, %parallel_loop3A_185 : vector<16xf32>
        %parallel_loop3A_262 = arith.addf %parallel_loop3A_191, %parallel_loop3A_197 : vector<16xf32>
        %parallel_loop3A_263 = arith.addf %parallel_loop3A_203, %parallel_loop3A_209 : vector<16xf32>
        %parallel_loop3A_264 = arith.addf %parallel_loop3A_215, %parallel_loop3A_221 : vector<16xf32>
        %parallel_loop3A_265 = arith.addf %parallel_loop3A_227, %parallel_loop3A_233 : vector<16xf32>
        %parallel_loop3A_266 = arith.addf %parallel_loop3A_239, %parallel_loop3A_245 : vector<16xf32>
        %parallel_loop3A_267 = arith.addf %parallel_loop3A_251, %parallel_loop3A_257 : vector<16xf32>
        %parallel_loop3A_268 = arith.addf %parallel_loop3A_258, %parallel_loop3A_259 : vector<16xf32>
        %parallel_loop3A_269 = arith.addf %parallel_loop3A_260, %parallel_loop3A_261 : vector<16xf32>
        %parallel_loop3A_270 = arith.addf %parallel_loop3A_262, %parallel_loop3A_263 : vector<16xf32>
        %parallel_loop3A_271 = arith.addf %parallel_loop3A_264, %parallel_loop3A_265 : vector<16xf32>
        %parallel_loop3A_272 = arith.addf %parallel_loop3A_266, %parallel_loop3A_267 : vector<16xf32>
        %parallel_loop3A_273 = arith.addf %parallel_loop3A_268, %parallel_loop3A_269 : vector<16xf32>
        %parallel_loop3A_274 = arith.addf %parallel_loop3A_270, %parallel_loop3A_271 : vector<16xf32>
        %parallel_loop3A_275 = arith.addf %parallel_loop3A_273, %parallel_loop3A_274 : vector<16xf32>
        %parallel_loop3A_276 = arith.addf %parallel_loop3A_275, %parallel_loop3A_272 : vector<16xf32>
        %parallel_loop3A_277 = arith.index_cast %parallel_loop3A_135 : i32 to index
        %parallel_loop3A_278 = arith.constant 0 : index
        %parallel_loop3A_279 = tpu.vector_load %arg9[%parallel_loop3A_277, %parallel_loop3A_278] {strides = array<i32>} : memref<64x32xf32, #tpu.memory_space<vmem>>, vector<1x16xf32>,
        %parallel_loop3A_280 = vector.shape_cast %parallel_loop3A_279 : vector<1x16xf32> to vector<16xf32>
        %parallel_loop3A_281 = vector.shape_cast %parallel_loop3A_276 : vector<16xf32> to vector<1x16xf32>
        tpu.vector_store %arg9[%parallel_loop3A_277, %parallel_loop3A_278], %parallel_loop3A_281 {strides = array<i32>} : memref<64x32xf32, #tpu.memory_space<vmem>>, vector<1x16xf32>,
        %parallel_loop3A_282 = arith.constant 0 : i32
        %parallel_loop3A_283 = arith.addi %parallel_loop3A_137, %parallel_loop3A_282 : i32
        %parallel_loop3A_284 = arith.index_cast %parallel_loop3A_283 : i32 to index
        %parallel_loop3A_285 = arith.constant 16 : index
        %parallel_loop3A_286 = tpu.vector_load %arg7[%parallel_loop3A_284, %parallel_loop3A_285] {strides = array<i32>} : memref<1280x32xf32, #tpu.memory_space<vmem>>, vector<1x16xf32>,
        %parallel_loop3A_287 = vector.shape_cast %parallel_loop3A_286 : vector<1x16xf32> to vector<16xf32>
        %parallel_loop3A_288 = arith.constant 1 : i32
        %parallel_loop3A_289 = arith.addi %parallel_loop3A_137, %parallel_loop3A_288 : i32
        %parallel_loop3A_290 = arith.index_cast %parallel_loop3A_289 : i32 to index
        %parallel_loop3A_291 = arith.constant 16 : index
        %parallel_loop3A_292 = tpu.vector_load %arg7[%parallel_loop3A_290, %parallel_loop3A_291] {strides = array<i32>} : memref<1280x32xf32, #tpu.memory_space<vmem>>, vector<1x16xf32>,
        %parallel_loop3A_293 = vector.shape_cast %parallel_loop3A_292 : vector<1x16xf32> to vector<16xf32>
        %parallel_loop3A_294 = arith.constant 2 : i32
        %parallel_loop3A_295 = arith.addi %parallel_loop3A_137, %parallel_loop3A_294 : i32
        %parallel_loop3A_296 = arith.index_cast %parallel_loop3A_295 : i32 to index
        %parallel_loop3A_297 = arith.constant 16 : index
        %parallel_loop3A_298 = tpu.vector_load %arg7[%parallel_loop3A_296, %parallel_loop3A_297] {strides = array<i32>} : memref<1280x32xf32, #tpu.memory_space<vmem>>, vector<1x16xf32>,
        %parallel_loop3A_299 = vector.shape_cast %parallel_loop3A_298 : vector<1x16xf32> to vector<16xf32>
        %parallel_loop3A_300 = arith.constant 3 : i32
        %parallel_loop3A_301 = arith.addi %parallel_loop3A_137, %parallel_loop3A_300 : i32
        %parallel_loop3A_302 = arith.index_cast %parallel_loop3A_301 : i32 to index
        %parallel_loop3A_303 = arith.constant 16 : index
        %parallel_loop3A_304 = tpu.vector_load %arg7[%parallel_loop3A_302, %parallel_loop3A_303] {strides = array<i32>} : memref<1280x32xf32, #tpu.memory_space<vmem>>, vector<1x16xf32>,
        %parallel_loop3A_305 = vector.shape_cast %parallel_loop3A_304 : vector<1x16xf32> to vector<16xf32>
        %parallel_loop3A_306 = arith.constant 4 : i32
        %parallel_loop3A_307 = arith.addi %parallel_loop3A_137, %parallel_loop3A_306 : i32
        %parallel_loop3A_308 = arith.index_cast %parallel_loop3A_307 : i32 to index
        %parallel_loop3A_309 = arith.constant 16 : index
        %parallel_loop3A_310 = tpu.vector_load %arg7[%parallel_loop3A_308, %parallel_loop3A_309] {strides = array<i32>} : memref<1280x32xf32, #tpu.memory_space<vmem>>, vector<1x16xf32>,
        %parallel_loop3A_311 = vector.shape_cast %parallel_loop3A_310 : vector<1x16xf32> to vector<16xf32>
        %parallel_loop3A_312 = arith.constant 5 : i32
        %parallel_loop3A_313 = arith.addi %parallel_loop3A_137, %parallel_loop3A_312 : i32
        %parallel_loop3A_314 = arith.index_cast %parallel_loop3A_313 : i32 to index
        %parallel_loop3A_315 = arith.constant 16 : index
        %parallel_loop3A_316 = tpu.vector_load %arg7[%parallel_loop3A_314, %parallel_loop3A_315] {strides = array<i32>} : memref<1280x32xf32, #tpu.memory_space<vmem>>, vector<1x16xf32>,
        %parallel_loop3A_317 = vector.shape_cast %parallel_loop3A_316 : vector<1x16xf32> to vector<16xf32>
        %parallel_loop3A_318 = arith.constant 6 : i32
        %parallel_loop3A_319 = arith.addi %parallel_loop3A_137, %parallel_loop3A_318 : i32
        %parallel_loop3A_320 = arith.index_cast %parallel_loop3A_319 : i32 to index
        %parallel_loop3A_321 = arith.constant 16 : index
        %parallel_loop3A_322 = tpu.vector_load %arg7[%parallel_loop3A_320, %parallel_loop3A_321] {strides = array<i32>} : memref<1280x32xf32, #tpu.memory_space<vmem>>, vector<1x16xf32>,
        %parallel_loop3A_323 = vector.shape_cast %parallel_loop3A_322 : vector<1x16xf32> to vector<16xf32>
        %parallel_loop3A_324 = arith.constant 7 : i32
        %parallel_loop3A_325 = arith.addi %parallel_loop3A_137, %parallel_loop3A_324 : i32
        %parallel_loop3A_326 = arith.index_cast %parallel_loop3A_325 : i32 to index
        %parallel_loop3A_327 = arith.constant 16 : index
        %parallel_loop3A_328 = tpu.vector_load %arg7[%parallel_loop3A_326, %parallel_loop3A_327] {strides = array<i32>} : memref<1280x32xf32, #tpu.memory_space<vmem>>, vector<1x16xf32>,
        %parallel_loop3A_329 = vector.shape_cast %parallel_loop3A_328 : vector<1x16xf32> to vector<16xf32>
        %parallel_loop3A_330 = arith.constant 8 : i32
        %parallel_loop3A_331 = arith.addi %parallel_loop3A_137, %parallel_loop3A_330 : i32
        %parallel_loop3A_332 = arith.index_cast %parallel_loop3A_331 : i32 to index
        %parallel_loop3A_333 = arith.constant 16 : index
        %parallel_loop3A_334 = tpu.vector_load %arg7[%parallel_loop3A_332, %parallel_loop3A_333] {strides = array<i32>} : memref<1280x32xf32, #tpu.memory_space<vmem>>, vector<1x16xf32>,
        %parallel_loop3A_335 = vector.shape_cast %parallel_loop3A_334 : vector<1x16xf32> to vector<16xf32>
        %parallel_loop3A_336 = arith.constant 9 : i32
        %parallel_loop3A_337 = arith.addi %parallel_loop3A_137, %parallel_loop3A_336 : i32
        %parallel_loop3A_338 = arith.index_cast %parallel_loop3A_337 : i32 to index
        %parallel_loop3A_339 = arith.constant 16 : index
        %parallel_loop3A_340 = tpu.vector_load %arg7[%parallel_loop3A_338, %parallel_loop3A_339] {strides = array<i32>} : memref<1280x32xf32, #tpu.memory_space<vmem>>, vector<1x16xf32>,
        %parallel_loop3A_341 = vector.shape_cast %parallel_loop3A_340 : vector<1x16xf32> to vector<16xf32>
        %parallel_loop3A_342 = arith.constant 10 : i32
        %parallel_loop3A_343 = arith.addi %parallel_loop3A_137, %parallel_loop3A_342 : i32
        %parallel_loop3A_344 = arith.index_cast %parallel_loop3A_343 : i32 to index
        %parallel_loop3A_345 = arith.constant 16 : index
        %parallel_loop3A_346 = tpu.vector_load %arg7[%parallel_loop3A_344, %parallel_loop3A_345] {strides = array<i32>} : memref<1280x32xf32, #tpu.memory_space<vmem>>, vector<1x16xf32>,
        %parallel_loop3A_347 = vector.shape_cast %parallel_loop3A_346 : vector<1x16xf32> to vector<16xf32>
        %parallel_loop3A_348 = arith.constant 11 : i32
        %parallel_loop3A_349 = arith.addi %parallel_loop3A_137, %parallel_loop3A_348 : i32
        %parallel_loop3A_350 = arith.index_cast %parallel_loop3A_349 : i32 to index
        %parallel_loop3A_351 = arith.constant 16 : index
        %parallel_loop3A_352 = tpu.vector_load %arg7[%parallel_loop3A_350, %parallel_loop3A_351] {strides = array<i32>} : memref<1280x32xf32, #tpu.memory_space<vmem>>, vector<1x16xf32>,
        %parallel_loop3A_353 = vector.shape_cast %parallel_loop3A_352 : vector<1x16xf32> to vector<16xf32>
        %parallel_loop3A_354 = arith.constant 12 : i32
        %parallel_loop3A_355 = arith.addi %parallel_loop3A_137, %parallel_loop3A_354 : i32
        %parallel_loop3A_356 = arith.index_cast %parallel_loop3A_355 : i32 to index
        %parallel_loop3A_357 = arith.constant 16 : index
        %parallel_loop3A_358 = tpu.vector_load %arg7[%parallel_loop3A_356, %parallel_loop3A_357] {strides = array<i32>} : memref<1280x32xf32, #tpu.memory_space<vmem>>, vector<1x16xf32>,
        %parallel_loop3A_359 = vector.shape_cast %parallel_loop3A_358 : vector<1x16xf32> to vector<16xf32>
        %parallel_loop3A_360 = arith.constant 13 : i32
        %parallel_loop3A_361 = arith.addi %parallel_loop3A_137, %parallel_loop3A_360 : i32
        %parallel_loop3A_362 = arith.index_cast %parallel_loop3A_361 : i32 to index
        %parallel_loop3A_363 = arith.constant 16 : index
        %parallel_loop3A_364 = tpu.vector_load %arg7[%parallel_loop3A_362, %parallel_loop3A_363] {strides = array<i32>} : memref<1280x32xf32, #tpu.memory_space<vmem>>, vector<1x16xf32>,
        %parallel_loop3A_365 = vector.shape_cast %parallel_loop3A_364 : vector<1x16xf32> to vector<16xf32>
        %parallel_loop3A_366 = arith.constant 14 : i32
        %parallel_loop3A_367 = arith.addi %parallel_loop3A_137, %parallel_loop3A_366 : i32
        %parallel_loop3A_368 = arith.index_cast %parallel_loop3A_367 : i32 to index
        %parallel_loop3A_369 = arith.constant 16 : index
        %parallel_loop3A_370 = tpu.vector_load %arg7[%parallel_loop3A_368, %parallel_loop3A_369] {strides = array<i32>} : memref<1280x32xf32, #tpu.memory_space<vmem>>, vector<1x16xf32>,
        %parallel_loop3A_371 = vector.shape_cast %parallel_loop3A_370 : vector<1x16xf32> to vector<16xf32>
        %parallel_loop3A_372 = arith.constant 15 : i32
        %parallel_loop3A_373 = arith.addi %parallel_loop3A_137, %parallel_loop3A_372 : i32
        %parallel_loop3A_374 = arith.index_cast %parallel_loop3A_373 : i32 to index
        %parallel_loop3A_375 = arith.constant 16 : index
        %parallel_loop3A_376 = tpu.vector_load %arg7[%parallel_loop3A_374, %parallel_loop3A_375] {strides = array<i32>} : memref<1280x32xf32, #tpu.memory_space<vmem>>, vector<1x16xf32>,
        %parallel_loop3A_377 = vector.shape_cast %parallel_loop3A_376 : vector<1x16xf32> to vector<16xf32>
        %parallel_loop3A_378 = arith.constant 16 : i32
        %parallel_loop3A_379 = arith.addi %parallel_loop3A_137, %parallel_loop3A_378 : i32
        %parallel_loop3A_380 = arith.index_cast %parallel_loop3A_379 : i32 to index
        %parallel_loop3A_381 = arith.constant 16 : index
        %parallel_loop3A_382 = tpu.vector_load %arg7[%parallel_loop3A_380, %parallel_loop3A_381] {strides = array<i32>} : memref<1280x32xf32, #tpu.memory_space<vmem>>, vector<1x16xf32>,
        %parallel_loop3A_383 = vector.shape_cast %parallel_loop3A_382 : vector<1x16xf32> to vector<16xf32>
        %parallel_loop3A_384 = arith.constant 17 : i32
        %parallel_loop3A_385 = arith.addi %parallel_loop3A_137, %parallel_loop3A_384 : i32
        %parallel_loop3A_386 = arith.index_cast %parallel_loop3A_385 : i32 to index
        %parallel_loop3A_387 = arith.constant 16 : index
        %parallel_loop3A_388 = tpu.vector_load %arg7[%parallel_loop3A_386, %parallel_loop3A_387] {strides = array<i32>} : memref<1280x32xf32, #tpu.memory_space<vmem>>, vector<1x16xf32>,
        %parallel_loop3A_389 = vector.shape_cast %parallel_loop3A_388 : vector<1x16xf32> to vector<16xf32>
        %parallel_loop3A_390 = arith.constant 18 : i32
        %parallel_loop3A_391 = arith.addi %parallel_loop3A_137, %parallel_loop3A_390 : i32
        %parallel_loop3A_392 = arith.index_cast %parallel_loop3A_391 : i32 to index
        %parallel_loop3A_393 = arith.constant 16 : index
        %parallel_loop3A_394 = tpu.vector_load %arg7[%parallel_loop3A_392, %parallel_loop3A_393] {strides = array<i32>} : memref<1280x32xf32, #tpu.memory_space<vmem>>, vector<1x16xf32>,
        %parallel_loop3A_395 = vector.shape_cast %parallel_loop3A_394 : vector<1x16xf32> to vector<16xf32>
        %parallel_loop3A_396 = arith.constant 19 : i32
        %parallel_loop3A_397 = arith.addi %parallel_loop3A_137, %parallel_loop3A_396 : i32
        %parallel_loop3A_398 = arith.index_cast %parallel_loop3A_397 : i32 to index
        %parallel_loop3A_399 = arith.constant 16 : index
        %parallel_loop3A_400 = tpu.vector_load %arg7[%parallel_loop3A_398, %parallel_loop3A_399] {strides = array<i32>} : memref<1280x32xf32, #tpu.memory_space<vmem>>, vector<1x16xf32>,
        %parallel_loop3A_401 = vector.shape_cast %parallel_loop3A_400 : vector<1x16xf32> to vector<16xf32>
        %parallel_loop3A_402 = arith.addf %parallel_loop3A_287, %parallel_loop3A_293 : vector<16xf32>
        %parallel_loop3A_403 = arith.addf %parallel_loop3A_299, %parallel_loop3A_305 : vector<16xf32>
        %parallel_loop3A_404 = arith.addf %parallel_loop3A_311, %parallel_loop3A_317 : vector<16xf32>
        %parallel_loop3A_405 = arith.addf %parallel_loop3A_323, %parallel_loop3A_329 : vector<16xf32>
        %parallel_loop3A_406 = arith.addf %parallel_loop3A_335, %parallel_loop3A_341 : vector<16xf32>
        %parallel_loop3A_407 = arith.addf %parallel_loop3A_347, %parallel_loop3A_353 : vector<16xf32>
        %parallel_loop3A_408 = arith.addf %parallel_loop3A_359, %parallel_loop3A_365 : vector<16xf32>
        %parallel_loop3A_409 = arith.addf %parallel_loop3A_371, %parallel_loop3A_377 : vector<16xf32>
        %parallel_loop3A_410 = arith.addf %parallel_loop3A_383, %parallel_loop3A_389 : vector<16xf32>
        %parallel_loop3A_411 = arith.addf %parallel_loop3A_395, %parallel_loop3A_401 : vector<16xf32>
        %parallel_loop3A_412 = arith.addf %parallel_loop3A_402, %parallel_loop3A_403 : vector<16xf32>
        %parallel_loop3A_413 = arith.addf %parallel_loop3A_404, %parallel_loop3A_405 : vector<16xf32>
        %parallel_loop3A_414 = arith.addf %parallel_loop3A_406, %parallel_loop3A_407 : vector<16xf32>
        %parallel_loop3A_415 = arith.addf %parallel_loop3A_408, %parallel_loop3A_409 : vector<16xf32>
        %parallel_loop3A_416 = arith.addf %parallel_loop3A_410, %parallel_loop3A_411 : vector<16xf32>
        %parallel_loop3A_417 = arith.addf %parallel_loop3A_412, %parallel_loop3A_413 : vector<16xf32>
        %parallel_loop3A_418 = arith.addf %parallel_loop3A_414, %parallel_loop3A_415 : vector<16xf32>
        %parallel_loop3A_419 = arith.addf %parallel_loop3A_417, %parallel_loop3A_418 : vector<16xf32>
        %parallel_loop3A_420 = arith.addf %parallel_loop3A_419, %parallel_loop3A_416 : vector<16xf32>
        %parallel_loop3A_421 = arith.index_cast %parallel_loop3A_135 : i32 to index
        %parallel_loop3A_422 = arith.constant 16 : index
        %parallel_loop3A_423 = tpu.vector_load %arg9[%parallel_loop3A_421, %parallel_loop3A_422] {strides = array<i32>} : memref<64x32xf32, #tpu.memory_space<vmem>>, vector<1x16xf32>,
        %parallel_loop3A_424 = vector.shape_cast %parallel_loop3A_423 : vector<1x16xf32> to vector<16xf32>
        %parallel_loop3A_425 = vector.shape_cast %parallel_loop3A_420 : vector<16xf32> to vector<1x16xf32>
        tpu.vector_store %arg9[%parallel_loop3A_421, %parallel_loop3A_422], %parallel_loop3A_425 {strides = array<i32>} : memref<64x32xf32, #tpu.memory_space<vmem>>, vector<1x16xf32>,
      } {sc.loop_unroll_factor = 2 : i64, sc.parallel_access}
      %mul3A_126 = arith.constant 13312 : i32
      %mul3A_127 = arith.muli %add3A, %mul3A_126 : i32
      %mul3A_128 = arith.constant 64 : i32
      %mul3A_129 = arith.muli %add3A_77, %mul3A_128 : i32
      %add3A_130 = arith.addi %mul3A_127, %mul3A_129 : i32
      %dma_start3A_131 = arith.constant 0 : i32
      %dma_start3A_132 = tpu.memref_slice %arg4[%add3A_130, %dma_start3A_131] : memref<425984x32xf32, #tpu.memory_space<hbm>> -> memref<64x32xf32, #tpu.memory_space<hbm>>
      %dma_start3A_133 = arith.constant 0 : i32
      %dma_start3A_134 = tpu.memref_slice %arg4[%add3A_130, %dma_start3A_133] : memref<425984x32xf32, #tpu.memory_space<hbm>> -> memref<64x32xf32, #tpu.memory_space<hbm>>
      tpu.enqueue_dma source(%arg9 : memref<64x32xf32, #tpu.memory_space<vmem>>) target(%dma_start3A_134 : memref<64x32xf32, #tpu.memory_space<hbm>>) target_semaphore(%arg13 : memref<!tpu.dma_semaphore, #tpu.memory_space<semaphore_mem>>)
    }
    %scan3A_11 = arith.constant 104 : i32
    %dma_wait3A = arith.constant 0 : i32
    %dma_wait3A_12 = arith.constant 0 : i32
    %dma_wait3A_13 = tpu.memref_slice %arg4[%dma_wait3A, %dma_wait3A_12] : memref<425984x32xf32, #tpu.memory_space<hbm>> -> memref<64x32xf32, #tpu.memory_space<hbm>>
    %dma_wait3A_14 = arith.constant 0 : i32
    %dma_wait3A_15 = arith.constant 0 : i32
    %dma_wait3A_16 = tpu.memref_slice %arg4[%dma_wait3A_14, %dma_wait3A_15] : memref<425984x32xf32, #tpu.memory_space<hbm>> -> memref<64x32xf32, #tpu.memory_space<hbm>>
    tpu.wait_dma2 semaphore(%arg12 : memref<!tpu.dma_semaphore, #tpu.memory_space<semaphore_mem>>) src(%arg8 : memref<64x32xf32, #tpu.memory_space<vmem>>) dst(%dma_wait3A_16 : memref<64x32xf32, #tpu.memory_space<hbm>>)
    %dma_wait3A_17 = arith.constant 0 : i32
    %dma_wait3A_18 = arith.constant 0 : i32
    %dma_wait3A_19 = tpu.memref_slice %arg4[%dma_wait3A_17, %dma_wait3A_18] : memref<425984x32xf32, #tpu.memory_space<hbm>> -> memref<64x32xf32, #tpu.memory_space<hbm>>
    %dma_wait3A_20 = arith.constant 0 : i32
    %dma_wait3A_21 = arith.constant 0 : i32
    %dma_wait3A_22 = tpu.memref_slice %arg4[%dma_wait3A_20, %dma_wait3A_21] : memref<425984x32xf32, #tpu.memory_space<hbm>> -> memref<64x32xf32, #tpu.memory_space<hbm>>
    tpu.wait_dma2 semaphore(%arg13 : memref<!tpu.dma_semaphore, #tpu.memory_space<semaphore_mem>>) src(%arg9 : memref<64x32xf32, #tpu.memory_space<vmem>>) dst(%dma_wait3A_22 : memref<64x32xf32, #tpu.memory_space<hbm>>)
    return
  }
}

module attributes {stable_mosaic.version = 14 : i64} {
  func.func @body(%arg0: i32, %arg1: memref<1024x832xf32, #tpu.memory_space<vmem>>, %arg2: memref<1024x832xf32, #tpu.memory_space<vmem>>) attributes {dimension_semantics = [#tpu.dimension_semantics<arbitrary>], iteration_bounds = array<i64: 16>, scalar_prefetch = 0 : i64, scratch_operands = 0 : i64, tpu.core_type = #tpu.core_type<tc>, window_params = [{transform_indices = @transform_0, window_bounds = array<i64: 1024, 832>}, {transform_indices = @transform_1, window_bounds = array<i64: 1024, 832>}]} {
    %get3A = arith.constant 0 : index
    %get3A_0 = arith.constant 0 : index
    %get3A_1 = vector.load %arg1[%get3A, %get3A_0] : memref<1024x832xf32, #tpu.memory_space<vmem>>, vector<1024x832xf32>
    %mul3A = arith.mulf %get3A_1, %get3A_1 : vector<1024x832xf32>
    %reduce_sum3A = arith.constant dense<0.000000e+00> : vector<1024xf32>
    %reduce_sum3A_2 = vector.multi_reduction <add>, %mul3A, %reduce_sum3A [1] : vector<1024x832xf32> to vector<1024xf32>
    %broadcast_in_dim3A = vector.shape_cast %reduce_sum3A_2 : vector<1024xf32> to vector<1024x1xf32>
    %max3A = arith.constant 1.000000e-24 : f32
    %max3A_3 = vector.broadcast %max3A : f32 to vector<1024x1xf32>
    %max3A_4 = arith.maximumf %broadcast_in_dim3A, %max3A_3 : vector<1024x1xf32>
    %rsqrt3A = math.rsqrt %max3A_4 : vector<1024x1xf32>
    %mul3A_5 = vector.broadcast %rsqrt3A : vector<1024x1xf32> to vector<1024x832xf32>
    %mul3A_6 = arith.mulf %get3A_1, %mul3A_5 : vector<1024x832xf32>
    %swap3A = arith.constant 0 : index
    %swap3A_7 = arith.constant 0 : index
    %swap3A_8 = vector.load %arg2[%swap3A, %swap3A_7] : memref<1024x832xf32, #tpu.memory_space<vmem>>, vector<1024x832xf32>
    tpu.vector_store %arg2[%swap3A, %swap3A_7], %mul3A_6 {strides = array<i32>} : memref<1024x832xf32, #tpu.memory_space<vmem>>, vector<1024x832xf32>,
    return
  }
  func.func @transform_0(%arg0: i32) -> (i32, i32) {
    %c0_i32 = arith.constant 0 : i32
    %c0_i32_0 = arith.constant 0 : i32
    return %arg0, %c0_i32 : i32, i32
  }
  func.func @transform_1(%arg0: i32) -> (i32, i32) {
    %c0_i32 = arith.constant 0 : i32
    %c0_i32_0 = arith.constant 0 : i32
    return %arg0, %c0_i32 : i32, i32
  }
}

</mosaic_0001>

<sc_bundles>
// kernel: kernel.4.cloned.1.call-start
scs
__scs_entry_jumppad:
0x0: {  	(pc) =	sbr.rel $0x88, $3  }
0x1: {  	(tag) =	ssettag $0x0;
	lr =	simm.s32 $0x1  }
0x2: {  	[smem:$0x3F9F] =	sst lr;
	_ =	strace $0xD0000000  }
0x3: {  	_ = 	snop  }
0x4: {  	_ = 	snop  }
0x5: {  	_ = 	snop  }
0x6: {  	_ = 	snop  }
0x7: {  	_ = 	snop  }
__scs_overlays_trampoline_lowered:
0x8: {  	[smem:$0x3FAE] =	sst s0  }
0x9: {  	[smem:$0x3FAF] =	sst s1  }
0xa: {  	[smem:$0x3FB0] =	sst s2  }
0xb: {  	[smem:$0x3FB1] =	sst s3  }
0xc: {  	[smem:$0x3FB2] =	sst s4  }
0xd: {  	[smem:$0x3FB3] =	sst s5  }
0xe: {  	[smem:$0x3FB4] =	sst s6  }
0xf: {  	[smem:$0x3FB5] =	sst s7  }
0x10: {  	[smem:$0x3FB6] =	sst s8  }
0x11: {  	[smem:$0x3FB7] =	sst s9;
	s0 =	simm.s32 @!p0 $0x0  }
0x12: {  	s1 =	sld [smem:$0x3F9D];
	s0 =	simm.s32 @p0 $0x1  }
0x13: {  	[smem:$0x3FB8] =	sst s0;
	s0 =	simm.s32 @!p1 $0x0  }
0x14: {  	s2 =	sld [smem:$0x3F9C];
	s0 =	simm.s32 @p1 $0x1  }
0x15: {  	[smem:$0x3FB9] =	sst s0;
	s0 =	simm.s32 @!p2 $0x0  }
0x16: {  	s3 =	sld [smem:$0x3FDB];
	s0 =	simm.s32 @p2 $0x1  }
0x17: {  	s4 =	simm.s32 $0x1BF5;
	[smem:$0x3FBB] =	sst s0  }
0x18: {  	s0 =	sld [smem:$0x3F9E];
	_ =	swait.ge [sflag:s4], $0x0  }
0x19: {  	s7 =	sld [smem:$0x3F9F]  }
0x1a: {  	s8 =	sadd.s32 $0xFFFFE003, lr  }
0x1b: {  	s9 =	sadd.s32 $0xFFFFFEF7, lr;
	s5 =	simm.s32 $0xFFFFFFFF;
	p2 =	slt.u32 s8, $0xFFFFF086  }
0x1c: {  	p1 =	slt.u32 s9, $0xF7A;
	s5 =	simm.s32 @!p2 $0x0  }
0x1d: {  	s5 =	simm.s32 @p1 $0x1;
	p0 =	seq.s32 s7, s2  }
0x1e: {  	s7 =	smul.u32 @!p0 $0xF7A, s2;
	p2 =	seq.s32 @!p0 s5, $0x0  }
0x1f: {  	s9 =	smul.u32 $0xF7A, s1;
	s8 =	simm.s32 @!p0 $0x1BF5;
	p2 =	por !p2, p0  }
0x20: {  	[sflag:s8] =	ssyncset.s32 @!p0 $0xFFFFF086;
	s6 =	sadd.s32 @!p0 s3, s7;
	s7 =	simm.s32 @!p0 $0x108  }
0x21: {  	s3 =	sadd.s32 s3, s9;
	s6 =	sadd.s32 @!p0 $0x88, s6;
	s7 =	simm.s32 @p2 $0x1082  }
0x22: {  	[simem:s7], [sflag:s8] =	dma.local @!p0 [hbm:s6], $0xF7A  }
0x23: {  	s9 =	sor.u32 $0xD0000000, s2;
	s6 =	simm.s32 $0x108;
	_ =	swait.ge @!p0 [sflag:s8], $0x0  }
0x24: {  	s3 =	sadd.s32 $0x88, s3;
	s6 =	simm.s32 @!p1 $0x1082;
	[sflag:s4] =	ssyncset.s32 $0xFFFFF086  }
0x25: {  	[simem:s6], [sflag:s4] =	dma.local [hbm:s3], $0xF7A  }
0x26: {  	[smem:$0x3F9F] =	sst s1;
	(tag) =	ssettag s2;
	_ =	strace s9  }
0x27: {  	s1 =	sld [smem:$0x3FAF]  }
0x28: {  	s2 =	sld [smem:$0x3FB0]  }
0x29: {  	s4 =	sld [smem:$0x3FB2]  }
0x2a: {  	p0 =	seq.s32 s5, $0x0;
	s5 =	sld [smem:$0x3FB3]  }
0x2b: {  	s6 =	sld [smem:$0x3FB4]  }
0x2c: {  	s7 =	sld [smem:$0x3FB5]  }
0x2d: {  	s3 =	simm.s32 $0x108;
	s8 =	sld [smem:$0x3FB6]  }
0x2e: {  	s3 =	simm.s32 @!p0 $0x1082;
	s9 =	sld [smem:$0x3FB7]  }
0x2f: {  	lr =	sadd.s32 s0, s3;
	s0 =	sld [smem:$0x3FAE]  }
0x30: {  	s3 =	sld [smem:$0x3FB1]  }
0x31: {  	[smem:$0x3FBA] =	sst s10  }
0x32: {  	s10 =	sld [smem:$0x3FB8];
	_ =	sdelay $0x3  }
0x33: {  	p0 =	seq.s32 s10, $0x1;
	s10 =	sld [smem:$0x3FBA];
	_ =	sdelay $0x3  }
0x34: {  	[smem:$0x3FBA] =	sst s10  }
0x35: {  	s10 =	sld [smem:$0x3FB9];
	_ =	sdelay $0x3  }
0x36: {  	p1 =	seq.s32 s10, $0x1;
	s10 =	sld [smem:$0x3FBA];
	_ =	sdelay $0x3  }
0x37: {  	[smem:$0x3FBA] =	sst s10  }
0x38: {  	s10 =	sld [smem:$0x3FBB]  }
0x39: {  	_ = 	snop;
	(pc) =	sbr.ind lr, $3  }
0x3a: {  	_ = 	snop  }
0x3b: {  	_ = 	snop  }
0x3c: {  	p2 =	seq.s32 s10, $0x1;
	s10 =	sld [smem:$0x3FBA]  }
0x3d: {  	_ =	shalt  }
0x3e: {  	_ =	shalt  }
0x3f: {  	_ =	shalt  }
0x40: {  	_ =	shalt  }
0x41: {  	_ =	shalt  }
0x42: {  	_ =	shalt  }
0x43: {  	_ =	shalt  }
0x44: {  	_ =	shalt  }
0x45: {  	_ =	shalt  }
0x46: {  	_ =	shalt  }
0x47: {  	_ =	shalt  }
0x48: {  	_ =	shalt  }
0x49: {  	_ =	shalt  }
0x4a: {  	_ =	shalt  }
0x4b: {  	_ =	shalt  }
0x4c: {  	_ =	shalt  }
0x4d: {  	_ =	shalt  }
0x4e: {  	_ =	shalt  }
0x4f: {  	_ =	shalt  }
0x50: {  	_ =	shalt  }
0x51: {  	_ =	shalt  }
0x52: {  	_ =	shalt  }
0x53: {  	_ =	shalt  }
0x54: {  	_ =	shalt  }
0x55: {  	_ =	shalt  }
0x56: {  	_ =	shalt  }
0x57: {  	_ =	shalt  }
0x58: {  	_ =	shalt  }
0x59: {  	_ =	shalt  }
0x5a: {  	_ =	shalt  }
0x5b: {  	_ =	shalt  }
0x5c: {  	_ =	shalt  }
0x5d: {  	_ =	shalt  }
0x5e: {  	_ =	shalt  }
0x5f: {  	_ =	shalt  }
0x60: {  	_ =	shalt  }
0x61: {  	_ =	shalt  }
0x62: {  	_ =	shalt  }
0x63: {  	_ =	shalt  }
0x64: {  	_ =	shalt  }
0x65: {  	_ =	shalt  }
0x66: {  	_ =	shalt  }
0x67: {  	_ =	shalt  }
0x68: {  	_ =	shalt  }
0x69: {  	_ =	shalt  }
0x6a: {  	_ =	shalt  }
0x6b: {  	_ =	shalt  }
0x6c: {  	_ =	shalt  }
0x6d: {  	_ =	shalt  }
0x6e: {  	_ =	shalt  }
0x6f: {  	_ =	shalt  }
0x70: {  	_ =	shalt  }
0x71: {  	_ =	shalt  }
0x72: {  	_ =	shalt  }
0x73: {  	_ =	shalt  }
0x74: {  	_ =	shalt  }
0x75: {  	_ =	shalt  }
0x76: {  	_ =	shalt  }
0x77: {  	_ =	shalt  }
0x78: {  	_ =	shalt  }
0x79: {  	_ =	shalt  }
0x7a: {  	_ =	shalt  }
0x7b: {  	_ =	shalt  }
0x7c: {  	_ =	shalt  }
0x7d: {  	_ =	shalt  }
0x7e: {  	_ =	shalt  }
0x7f: {  	_ =	shalt  }
0x80: {  	_ =	shalt  }
0x81: {  	_ =	shalt  }
0x82: {  	_ =	shalt  }
0x83: {  	_ =	shalt  }
0x84: {  	_ =	shalt  }
0x85: {  	_ =	shalt  }
0x86: {  	_ =	shalt  }
0x87: {  	_ =	shalt  }
.Lfunc_end0:
.L_simem_size_0:
called_computation_lowered:
.L_overlay_start_0:
0x88: {  	s2 =	sld [smem:$0x3FD9]  }
0x89: {  	s3 =	sld [smem:$0x3FFE];
	_ =	sdelay $0x1  }
0x8a: {  	s1 =	srdreg.scid  }
0x8b: {  	s0 =	sand.u32 $0x1, s1  }
0x8c: {  	s17 =	sshll.u32 s0, $0xA;
	s2 =	sadd.s32 s3, s2  }
0x8d: {  	s2 =	sadd.s32 s2, s17  }
0x8e: {  	[smem:$0x3FC6] =	sst s2  }
0x8f: {  	_ = 	snop  }
0x90: {  	s2 =	sld [smem:$0x3FD0];
	(tm) =	ssettm $0x1  }
0x91: {  	s18 =	sld [smem:$0x3FFB];
	_ =	sdelay $0x3  }
0x92: {  	_ =	strace s18  }
0x93: {  	s3 =	sld [smem:$0x3FFC];
	_ =	sdelay $0x3  }
0x94: {  	_ =	strace s3  }
0x95: {  	s3 =	sld [smem:$0x3FFD];
	_ =	sdelay $0x3  }
0x96: {  	_ =	strace s3  }
0x97: {  	_ =	strace $0x8FFFFFFF  }
0x98: {  	s19 =	sld [smem:$0x3FDB];
	_ =	sdelay $0x1  }
0x99: {  	s4 =	simm.s32 $_scs_section_size  }
0x9a: {  	s5 =	simm.s32 $_size__tile_overlayer_lowered;
	s6 =	simm.s32 $_tile_overlayer_lowered  }
0x9b: {  	s22 =	simm.s32 $0x1BFF;
	s21 =	sshll.u32 s6, $0x1;
	s3 =	sadd.s32 s4, s19  }
0x9c: {  	s7 =	simm.s32 $0x0;
	s20 =	sshll.u32 s5, $0x1;
	s5 =	sadd.s32 s21, s3  }
0x9d: {  	[timem:s7], [sflag:s22] =	dma.local [hbm:s5], s20  }
0x9e: {  	_ =	swait.ge [sflag:s22], s20  }
0x9f: {  	s4 =	ssub.s32 $0x0, s20;
	[sflag:s22] =	ssyncset.done $0x0  }
0xa0: {  	[sflag:s22] =	ssyncadd.s32 s4;
	_ =	sdelay $0x1  }
0xa1: {  	s23 =	simm.s32 $0x1B8B  }
0xa2: {  	_ =	swait.ge [sflag:s23], $0x1  }
0xa3: {  	[sflag:s23] =	ssyncset.done $0x0  }
0xa4: {  	s25 =	simm.s32 $0x1B8E;
	s24 =	sld [smem:$0x3FFE];
	[sflag:s23] =	ssyncadd.s32 $0xFFFFFFFF  }
0xa5: {  	s26 =	simm.s32 $execute0_lowered;
	[smem:$0x3FD2] =	sst s25  }
0xa6: {  	s5 =	sshll.u32 s26, $0x1;
	_ =	strace $0x80000046;
	[dreg:$0x1] =	wrdreg $0xFFFFFFFF  }
0xa7: {  	s28 =	simm.s32 $_size_execute0_lowered;
	s3 =	sadd.s32 s3, s5;
	[dreg:$0x0] =	wrdreg $0x0  }
0xa8: {  	s5 =	sshll.u32 s28, $0x1;
	[dreg:$0x2] =	wrdreg s3  }
0xa9: {  	[dreg:$0x3] =	wrdreg s5  }
0xaa: {  	[dreg:$0x4] =	wrdreg $0xC0  }
0xab: {  	_ =	task [dreg:s7], $0x5FFFF  }
0xac: {  	[dreg:$0x1] =	wrdreg $0xFFFFFFFF  }
0xad: {  	[dreg:$0x0] =	wrdreg $0x60  }
0xae: {  	[dreg:$0x2] =	wrdreg s24  }
0xaf: {  	[dreg:$0x3] =	wrdreg s2  }
0xb0: {  	[dreg:$0x4] =	wrdreg $0x9  }
0xb1: {  	_ =	task.clear_ibuf [dreg:s7], $0x5FFFF;
	_ =	strace $0x90000046  }
0xb2: {  	s29 =	simm.s32 $0x9;
	_ =	strace $0x80000048  }
0xb3: {  	_ =	swait.ge [sflag:s29], $0x1  }
0xb4: {  	[sflag:s29] =	ssyncadd.s32 $0xFFFFFFFF  }
0xb5: {  	_ =	strace $0x90000048  }
0xb6: {  	_ =	sfence  }
0xb7: {  	s30 =	sld [smem:$0x0];
	_ =	sdelay $0x2  }
0xb8: {  	s31 =	sshll.u32 s1, $0xD;
	s1 =	sshrl.u32 s1, $0x2  }
0xb9: {  	s3 =	sand.u32 $0x4000, s31;
	s1 =	sadd.s32 s1, s30  }
0xba: {  	s0 =	sor.u32 s3, s0;
	s1 =	sshll.u32 s1, $0x11  }
0xbb: {  	s0 =	sor.u32 s1, s0  }
0xbc: {  	s0 =	sadd.s32 $0x8F2B, s0  }
0xbd: {  	[sflag:s0] =	ssyncadd.remote.s32 $0x1  }
0xbe: {  	_ =	sfence.sel $0xFFFF  }
0xbf: {  	[dreg:$0x0] =	wrdreg $0xFFFFFFFF;
	(pc) =	sbr.abs _section_cstart, $3  }
0xc0: {  	[dreg:$0x1] =	wrdreg $0xFFFFFFFF  }
0xc1: {  	_ =	task.clear_ibuf [dreg:s7], $0x2FFFF;
	_ =	strace $0x9FFFFFFF  }
0xc2: {  	(tm) =	ssettm $0x7FFFFFFF  }
0xc3: {  	_ =	shalt  }
tec
execute0_lowered:
.L_overlay_start_1:
0x0: {  	(tag) =	ssettag $0x1  }
0x1: {  	s6 =	rddreg [dreg:$0x0];
	s1 =	srdreg.scid  }
0x2: {  	s0 =	stileid.u32;
	s2 =	rddreg [dreg:$0x1];
	s3 =	simm.s32 $0x0  }
0x3: {  	s11 =	simm.s32 $0x500;
	s12 =	simm.s32 $0x2800;
	s13 =	simm.s32 $0x1  }
0x4: {  	s14 =	simm.s32 $0xC800;
	s15 =	simm.s32 $0x16800;
	s16 =	simm.s32 $0x2  }
0x5: {  	s17 =	simm.s32 $0x17000;
	s18 =	simm.s32 $0x3;
	s19 =	simm.s32 $0x4  }
0x6: {  	s7 =	sand.u32 $0x1, s1;
	s4 =	sshll.u32 s0, $0x1;
	s1 =	rddreg [dreg:$0x2]  }
0x7: {  	s20 =	simm.s32 $0x0;
	[smem:$0x7FF] =	sst s3;
	s8 =	sor.u32 s7, s4  }
0x8: {  	s5 =	sadd.s32 $0x800400, s6;
	s7 =	ssub.s32 $0x2, s7;
	s4 =	smul.u32 $0x41000, s8  }
0x9: {  	s6 =	sadd.s32 $0xF42800, s6;
	_ =	strace $0x80000047;
	s9 =	sshrl.u32 s7, $0x1  }
0xa: {  	s8 =	smul.u32 $0x68000, s8;
	s9 =	ssub.s32 s7, s9;
	s10 =	sshrl.u32 s4, $0x3  }
0xb: {  	s9 =	smax.u32 s9, $0x1;
	s7 =	sadd.s32 s5, s10;
	s10 =	simm.s32 $0x5  }
.LBB2_1:
0xc: {  	[tilespmem:s3], [sflag:$0x5] =	stream.linear.gather [hbm4b:s7+s3], $0x2800, $0x38;
	[tilespmem:$0x17800] =	vst v63  }
0xd: {  	_ =	swait.ge [sflag:s10], $0x2800  }
0xe: {  	[sflag:s10] =	ssyncset.done $0x0  }
0xf: {  	s21 =	simm.s32 $0x0;
	[sflag:s10] =	ssyncadd.s32 $0xFFFFD800  }
0x10: {  	[tilespmem:s12], [sflag:$0x1] =	stream.indirect.gather [hbm4b:s6+s11], $0x20, s3, s11, $0xb8;
	[tilespmem:$0x17800] =	vst v63  }
.LBB2_2:
0x11: {  	s22 =	sshllo.u32 s21, $0x1  }
0x12: {  	s23 =	sand.u32 $0x7, s22  }
0x13: {  	_ =	swait.ge [sflag:s13], $0xA000;
	s24 =	smul.u32 $0x1400, s23  }
0x14: {  	[sflag:s13] =	ssyncset.done $0x0  }
0x15: {  	p0 =	seq.s32 s21, $0x0;
	[sflag:s13] =	ssyncadd.s32 $0xFFFF6000;
	s24 =	sshrl.u32 s24, $0x2  }
0x16: {  	[tilespmem:s14], [sflag:$0x2] =	stream.indirect.gather [hbm4b:s6+s11], $0x20, s24, s11, $0xb8;
	[tilespmem:$0x17800] =	vst v63  }
0x17: {  	s24 =	simm.s32 @!p0 $0x3  }
0x18: {  	_ =	swait.ge @!p0 [sflag:s24], $0x800  }
0x19: {  	[sflag:s24] =	ssyncset.done @!p0 $0x0  }
0x1a: {  	s28 =	simm.s32 $0x2A80;
	[sflag:s24] =	ssyncadd.s32 @!p0 $0xFFFFF800  }
0x1b: {  	v0 =	vld [tilespmem:s28+$0x200]  }
0x1c: {  	v1 =	vld [tilespmem:s28+$0x0]  }
0x1d: {  	v2 =	vld [tilespmem:s28+$0x20]  }
0x1e: {  	v3 =	vld [tilespmem:s28+$0x40]  }
0x1f: {  	v4 =	vld [tilespmem:s28+$0x60]  }
0x20: {  	v5 =	vld [tilespmem:s28+$0x80]  }
0x21: {  	v6 =	vld [tilespmem:s28+$0xA0]  }
0x22: {  	v7 =	vld [tilespmem:s28+$0xC0]  }
0x23: {  	v8 =	vld [tilespmem:s28+$0xE0]  }
0x24: {  	v9 =	vld [tilespmem:s28+$0x100]  }
0x25: {  	v10 =	vld [tilespmem:s28+$0x120]  }
0x26: {  	v11 =	vld [tilespmem:s28+$0x140]  }
0x27: {  	v12 =	vld [tilespmem:s28+$0x160]  }
0x28: {  	v13 =	vld [tilespmem:s28+$0x180]  }
0x29: {  	v14 =	vld [tilespmem:s28+$0x1A0]  }
0x2a: {  	v15 =	vld [tilespmem:s28+$0x1C0]  }
0x2b: {  	v16 =	vld [tilespmem:s28+$0x1E0]  }
0x2c: {  	v17 =	vld [tilespmem:s28+$0x220]  }
0x2d: {  	v18 =	vld [tilespmem:s28+$0x240]  }
0x2e: {  	v53 =	vld [tilespmem:s28+$0xFFFFFDE0]  }
0x2f: {  	v21 =	vld [tilespmem:s28+$0xFFFFFF20]  }
0x30: {  	v22 =	vld [tilespmem:s28+$0xFFFFFF40]  }
0x31: {  	v23 =	vld [tilespmem:s28+$0xFFFFFD80]  }
0x32: {  	v24 =	vld [tilespmem:s28+$0xFFFFFF60]  }
0x33: {  	s25 =	simm.s32 $0x2F80;
	v25 =	vld [tilespmem:s28+$0xFFFFFF80]  }
0x34: {  	v28 =	vld [tilespmem:s25+$0x200]  }
0x35: {  	v29 =	vld [tilespmem:s25+$0x0]  }
0x36: {  	v30 =	vld [tilespmem:s25+$0x20]  }
0x37: {  	v31 =	vld [tilespmem:s25+$0x40]  }
0x38: {  	v32 =	vld [tilespmem:s25+$0x60]  }
0x39: {  	v33 =	vld [tilespmem:s25+$0x80]  }
0x3a: {  	v34 =	vld [tilespmem:s25+$0xA0]  }
0x3b: {  	v35 =	vld [tilespmem:s25+$0xC0]  }
0x3c: {  	v36 =	vld [tilespmem:s25+$0xE0]  }
0x3d: {  	v37 =	vld [tilespmem:s25+$0x100]  }
0x3e: {  	v38 =	vld [tilespmem:s25+$0x120]  }
0x3f: {  	v39 =	vld [tilespmem:s25+$0x140]  }
0x40: {  	v40 =	vld [tilespmem:s25+$0x160]  }
0x41: {  	v41 =	vld [tilespmem:s25+$0x180]  }
0x42: {  	v42 =	vld [tilespmem:s25+$0x1A0]  }
0x43: {  	v43 =	vld [tilespmem:s25+$0x1C0]  }
0x44: {  	v44 =	vld [tilespmem:s25+$0x1E0]  }
0x45: {  	v45 =	vld [tilespmem:s25+$0x220]  }
0x46: {  	v46 =	vld [tilespmem:s25+$0x240]  }
0x47: {  	v57 =	vld [tilespmem:s25+$0x260]  }
0x48: {  	v1 =	vadd.f32 v2, v1;
	v2 =	vadd.f32 v4, v3;
	v3 =	vld [tilespmem:s28+$0x260]  }
0x49: {  	v4 =	vadd.f32 v6, v5;
	v6 =	vld [tilespmem:s28+$0xFFFFFDA0]  }
0x4a: {  	v5 =	vadd.f32 v8, v7;
	v7 =	vadd.f32 v10, v9;
	v9 =	vld [tilespmem:s28+$0xFFFFFDC0]  }
0x4b: {  	v58 =	vadd.f32 v34, v33;
	v34 =	vld [tilespmem:s25+$0xFFFFFDA0]  }
0x4c: {  	v60 =	vadd.f32 v38, v37;
	v37 =	vld [tilespmem:s25+$0xFFFFFDC0]  }
0x4d: {  	v61 =	vadd.f32 v40, v39;
	v40 =	vld [tilespmem:s25+$0xFFFFFDE0]  }
0x4e: {  	v56 =	vadd.f32 v32, v31;
	v32 =	vld [tilespmem:s25+$0xFFFFFE00]  }
0x4f: {  	v59 =	vadd.f32 v36, v35;
	v36 =	vld [tilespmem:s25+$0xFFFFFE20]  }
0x50: {  	v38 =	vld [tilespmem:s25+$0xFFFFFE40]  }
0x51: {  	v33 =	vld [tilespmem:s25+$0xFFFFFE60]  }
0x52: {  	v8 =	vadd.f32 v12, v11;
	v35 =	vld [tilespmem:s25+$0xFFFFFE80]  }
0x53: {  	v10 =	vadd.f32 v14, v13;
	v29 =	vadd.f32 v30, v29;
	v30 =	vld [tilespmem:s25+$0xFFFFFEA0]  }
0x54: {  	v11 =	vadd.f32 v16, v15;
	v62 =	vadd.f32 v42, v41;
	v39 =	vld [tilespmem:s25+$0xFFFFFF00]  }
0x55: {  	v1 =	vadd.f32 v2, v1;
	v2 =	vadd.f32 v5, v4;
	v4 =	vld [tilespmem:s28+$0xFFFFFE00]  }
0x56: {  	v28 =	vadd.f32 v45, v28;
	v5 =	vadd.f32 v8, v7;
	v8 =	vld [tilespmem:s28+$0xFFFFFE20]  }
0x57: {  	v31 =	vadd.f32 v57, v46;
	v7 =	vadd.f32 v11, v10;
	v10 =	vld [tilespmem:s28+$0xFFFFFE40]  }
0x58: {  	v63 =	vadd.f32 v44, v43;
	v11 =	vld [tilespmem:s28+$0xFFFFFF00];
	v29 =	vadd.f32 v56, v29  }
0x59: {  	v42 =	vadd.f32 v59, v58;
	v28 =	vadd.f32 v31, v28;
	v31 =	vld [tilespmem:s25+$0xFFFFFEC0]  }
0x5a: {  	v43 =	vadd.f32 v61, v60;
	v44 =	vadd.f32 v63, v62;
	v63 =	vld [tilespmem:s25+$0xFFFFFF40]  }
0x5b: {  	v1 =	vadd.f32 v2, v1;
	v2 =	vadd.f32 v7, v5;
	v5 =	vld [tilespmem:s28+$0xFFFFFE60]  }
0x5c: {  	v0 =	vadd.f32 v17, v0;
	v7 =	vld [tilespmem:s28+$0xFFFFFE80];
	v29 =	vadd.f32 v42, v29  }
0x5d: {  	v47 =	vadd.f32 v44, v43;
	v44 =	vld [tilespmem:s25+$0xFFFFFFC0];
	v3 =	vadd.f32 v3, v18  }
0x5e: {  	v1 =	vadd.f32 v2, v1;
	v2 =	vld [tilespmem:s28+$0xFFFFFEA0]  }
0x5f: {  	v29 =	vadd.f32 v47, v29;
	v0 =	vadd.f32 v3, v0;
	v3 =	vld [tilespmem:s28+$0xFFFFFEC0]  }
0x60: {  	v4 =	vadd.f32 v8, v4;
	v8 =	vld [tilespmem:s28+$0xFFFFFFA0]  }
0x61: {  	v28 =	vadd.f32 v28, v29;
	v29 =	vld [tilespmem:s25+$0xFFFFFEE0]  }
0x62: {  	s26 =	simm.s32 $0x16860;
	v0 =	vadd.f32 v0, v1;
	v1 =	vld [tilespmem:s28+$0xFFFFFEE0]  }
0x63: {  	[tilespmem:s26+$0x0] =	vst v28;
	v2 =	vadd.f32 v2, v7;
	v7 =	vld [tilespmem:s28+$0xFFFFFFC0]  }
0x64: {  	v28 =	vld [tilespmem:s25+$0x210]  }
0x65: {  	v48 =	vld [tilespmem:s25+$0x10]  }
0x66: {  	v49 =	vld [tilespmem:s25+$0x30]  }
0x67: {  	v50 =	vld [tilespmem:s25+$0x50]  }
0x68: {  	v51 =	vld [tilespmem:s25+$0x70]  }
0x69: {  	v55 =	vadd.f32 v24, v22;
	v9 =	vadd.f32 v53, v9;
	v52 =	vld [tilespmem:s25+$0x90]  }
0x6a: {  	v6 =	vadd.f32 v6, v23;
	v11 =	vadd.f32 v21, v11;
	v53 =	vld [tilespmem:s25+$0xB0]  }
0x6b: {  	v47 =	vld [tilespmem:s25+$0xD0]  }
0x6c: {  	v6 =	vadd.f32 v9, v6;
	v9 =	vadd.f32 v55, v11;
	v55 =	vld [tilespmem:s25+$0xF0]  }
0x6d: {  	v58 =	vld [tilespmem:s25+$0x110]  }
0x6e: {  	s24 =	simm.s32 $0x16820;
	v59 =	vld [tilespmem:s25+$0x170]  }
0x6f: {  	[tilespmem:s24+$0x0] =	vst v0;
	v62 =	vld [tilespmem:s25+$0x270]  }
0x70: {  	v0 =	vld [tilespmem:s28+$0x210]  }
0x71: {  	v13 =	vld [tilespmem:s28+$0x10]  }
0x72: {  	v14 =	vld [tilespmem:s28+$0x30]  }
0x73: {  	v15 =	vld [tilespmem:s28+$0x50]  }
0x74: {  	v54 =	vld [tilespmem:s28+$0x70]  }
0x75: {  	v17 =	vld [tilespmem:s28+$0x90]  }
0x76: {  	v18 =	vld [tilespmem:s28+$0xB0]  }
0x77: {  	v19 =	vld [tilespmem:s28+$0xD0]  }
0x78: {  	v5 =	vadd.f32 v5, v10;
	v20 =	vld [tilespmem:s28+$0xF0]  }
0x79: {  	v10 =	vld [tilespmem:s28+$0x110]  }
0x7a: {  	v4 =	vadd.f32 v5, v4;
	v5 =	vld [tilespmem:s28+$0x130]  }
0x7b: {  	v11 =	vld [tilespmem:s28+$0x170]  }
0x7c: {  	v12 =	vld [tilespmem:s28+$0x270]  }
0x7d: {  	v1 =	vadd.f32 v1, v3;
	v3 =	vld [tilespmem:s28+$0xFFFFFFE0]  }
0x7e: {  	v4 =	vadd.f32 v4, v6;
	v6 =	vld [tilespmem:s28+$0x190]  }
0x7f: {  	v1 =	vadd.f32 v1, v2;
	v2 =	vld [tilespmem:s28+$0x150]  }
0x80: {  	v42 =	vadd.f32 v49, v48;
	v49 =	vld [tilespmem:s25+$0xFFFFFFE0]  }
0x81: {  	v8 =	vadd.f32 v8, v25;
	v5 =	vadd.f32 v5, v10;
	v10 =	vld [tilespmem:s25+$0x130]  }
0x82: {  	v1 =	vadd.f32 v9, v1;
	v9 =	vld [tilespmem:s28+$0x1D0];
	v3 =	vadd.f32 v3, v7  }
0x83: {  	v7 =	vld [tilespmem:s28+$0x1B0]  }
0x84: {  	v1 =	vadd.f32 v1, v4;
	v4 =	vld [tilespmem:s28+$0x1F0];
	v3 =	vadd.f32 v3, v8  }
0x85: {  	v8 =	vld [tilespmem:s28+$0x230];
	v2 =	vadd.f32 v11, v2  }
0x86: {  	v1 =	vadd.f32 v3, v1;
	v3 =	vld [tilespmem:s28+$0x250]  }
0x87: {  	v2 =	vadd.f32 v2, v5;
	v5 =	vld [tilespmem:s25+$0x190]  }
0x88: {  	v6 =	vadd.f32 v7, v6;
	v7 =	vld [tilespmem:s25+$0x150];
	[tilespmem:s24+$0xFFFFFFE0] =	vst v1  }
0x89: {  	v1 =	vld [tilespmem:s28+$0xFFFFFD90]  }
0x8a: {  	v43 =	vadd.f32 v51, v50;
	v48 =	vadd.f32 v53, v52;
	v21 =	vld [tilespmem:s28+$0xFFFFFDB0]  }
0x8b: {  	v54 =	vadd.f32 v54, v15;
	v56 =	vadd.f32 v18, v17;
	v22 =	vld [tilespmem:s28+$0xFFFFFDD0]  }
0x8c: {  	v57 =	vadd.f32 v20, v19;
	v15 =	vadd.f32 v55, v47;
	v23 =	vld [tilespmem:s28+$0xFFFFFDF0]  }
0x8d: {  	v13 =	vadd.f32 v14, v13;
	v4 =	vadd.f32 v4, v9;
	v24 =	vld [tilespmem:s28+$0xFFFFFE10]  }
0x8e: {  	v15 =	vadd.f32 v15, v48;
	v11 =	vadd.f32 v57, v56;
	v25 =	vld [tilespmem:s28+$0xFFFFFE30]  }
0x8f: {  	v9 =	vadd.f32 v54, v13;
	v26 =	vld [tilespmem:s28+$0xFFFFFE50];
	v4 =	vadd.f32 v4, v6  }
0x90: {  	v27 =	vld [tilespmem:s28+$0xFFFFFE70];
	v0 =	vadd.f32 v8, v0;
	v3 =	vadd.f32 v12, v3  }
0x91: {  	v51 =	vld [tilespmem:s28+$0xFFFFFE90];
	v8 =	vadd.f32 v11, v9;
	v2 =	vadd.f32 v4, v2  }
0x92: {  	v56 =	vadd.f32 v49, v44;
	v52 =	vld [tilespmem:s28+$0xFFFFFEB0];
	v0 =	vadd.f32 v3, v0  }
0x93: {  	v53 =	vld [tilespmem:s28+$0xFFFFFED0];
	v2 =	vadd.f32 v2, v8;
	v1 =	vadd.f32 v21, v1  }
0x94: {  	v55 =	vld [tilespmem:s28+$0xFFFFFF10];
	v8 =	vadd.f32 v23, v22;
	v60 =	vadd.f32 v25, v24  }
0x95: {  	v61 =	vadd.f32 v27, v26;
	v26 =	vadd.f32 v36, v32;
	v32 =	vld [tilespmem:s25+$0xFFFFFF60]  }
0x96: {  	v10 =	vadd.f32 v10, v58;
	v36 =	vld [tilespmem:s25+$0xFFFFFD80];
	v0 =	vadd.f32 v0, v2  }
0x97: {  	v2 =	vld [tilespmem:s25+$0xFFFFFF20];
	v1 =	vadd.f32 v8, v1;
	v8 =	vadd.f32 v61, v60  }
0x98: {  	v6 =	vld [tilespmem:s25+$0x1B0];
	v7 =	vadd.f32 v59, v7;
	v27 =	vadd.f32 v33, v38  }
0x99: {  	v8 =	vadd.f32 v8, v1;
	v1 =	vadd.f32 v40, v37;
	v37 =	vld [tilespmem:s25+$0xFFFFFF80]  }
0x9a: {  	v33 =	vadd.f32 v30, v35;
	v35 =	vadd.f32 v29, v31;
	v40 =	vld [tilespmem:s25+$0xFFFFFFA0]  }
0x9b: {  	v9 =	vld [tilespmem:s25+$0x1F0];
	v7 =	vadd.f32 v7, v10;
	v50 =	vadd.f32 v34, v36  }
0x9c: {  	v4 =	vld [tilespmem:s25+$0x1D0];
	v12 =	vadd.f32 v32, v63;
	v2 =	vadd.f32 v2, v39  }
0x9d: {  	v57 =	vld [tilespmem:s28+$0xFFFFFF30];
	v14 =	vadd.f32 v27, v26;
	v38 =	vadd.f32 v35, v33  }
0x9e: {  	v58 =	vld [tilespmem:s28+$0xFFFFFF50];
	v1 =	vadd.f32 v1, v50;
	v2 =	vadd.f32 v12, v2  }
0x9f: {  	v11 =	vld [tilespmem:s25+$0x250];
	v5 =	vadd.f32 v6, v5;
	v54 =	vadd.f32 v40, v37  }
0xa0: {  	v3 =	vld [tilespmem:s25+$0x230];
	v1 =	vadd.f32 v14, v1;
	v2 =	vadd.f32 v2, v38  }
0xa1: {  	v6 =	vld [tilespmem:s28+$0xFFFFFEF0];
	v60 =	vadd.f32 v52, v51;
	v4 =	vadd.f32 v9, v4  }
0xa2: {  	v59 =	vld [tilespmem:s28+$0xFFFFFF70];
	v1 =	vadd.f32 v2, v1;
	v2 =	vadd.f32 v56, v54  }
0xa3: {  	v10 =	vld [tilespmem:s28+$0xFFFFFF90];
	v9 =	vadd.f32 v43, v42;
	v4 =	vadd.f32 v4, v5  }
0xa4: {  	v5 =	vadd.f32 v62, v11;
	v11 =	vld [tilespmem:s28+$0xFFFFFFD0];
	v1 =	vadd.f32 v2, v1  }
0xa5: {  	v3 =	vadd.f32 v3, v28;
	v4 =	vadd.f32 v4, v7;
	v7 =	vld [tilespmem:s28+$0xFFFFFFF0]  }
0xa6: {  	v9 =	vadd.f32 v15, v9;
	v6 =	vadd.f32 v6, v53;
	v2 =	vld [tilespmem:s28+$0xFFFFFFB0];
	[tilespmem:s26+$0xFFFFFFE0] =	vst v1  }
0xa7: {  	v14 =	vadd.f32 v57, v55;
	v12 =	vadd.f32 v59, v58;
	v61 =	vld [tilespmem:s25+$0xFFFFFD90]  }
0xa8: {  	v3 =	vadd.f32 v5, v3;
	v6 =	vadd.f32 v6, v60;
	v62 =	vld [tilespmem:s25+$0xFFFFFDB0]  }
0xa9: {  	v5 =	vadd.f32 v4, v9;
	v9 =	vadd.f32 v12, v14;
	v1 =	vld [tilespmem:s25+$0xFFFFFDD0]  }
0xaa: {  	v4 =	vld [tilespmem:s25+$0xFFFFFDF0]  }
0xab: {  	v63 =	vadd.f32 v3, v5;
	v9 =	vadd.f32 v9, v6;
	v6 =	vld [tilespmem:s25+$0xFFFFFE30]  }
0xac: {  	v7 =	vadd.f32 v7, v11;
	v10 =	vadd.f32 v2, v10;
	v2 =	vld [tilespmem:s25+$0xFFFFFE10]  }
0xad: {  	[tilespmem:s24+$0x10] =	vst v0;
	v0 =	vadd.f32 v9, v8;
	v3 =	vld [tilespmem:s25+$0xFFFFFE50]  }
0xae: {  	s29 =	simm.s32 $0x2;
	s30 =	simm.s32 $0x3480;
	[tilespmem:s26+$0x10] =	vst v63;
	s28 =	sshll.u32 s21, $0x1;
	v8 =	vld [tilespmem:s25+$0xFFFFFE70];
	v7 =	vadd.f32 v7, v10;
	v5 =	vadd.f32 v62, v61  }
.LBB2_3:
0xaf: {  	v9 =	vld [tilespmem:s30+$0x200];
	v1 =	vadd.f32 v4, v1  }
0xb0: {  	v4 =	vld [tilespmem:s30+$0x0];
	v0 =	vadd.f32 v7, v0  }
0xb1: {  	v7 =	vld [tilespmem:s30+$0x20];
	v2 =	vadd.f32 v6, v2;
	v1 =	vadd.f32 v1, v5  }
0xb2: {  	v5 =	vld [tilespmem:s30+$0x40];
	[tilespmem:s24+$0xFFFFFFF0] =	vst v0;
	s24 =	smov.u32 s26  }
0xb3: {  	v6 =	vld [tilespmem:s30+$0x60];
	v0 =	vadd.f32 v8, v3  }
0xb4: {  	v3 =	vld [tilespmem:s30+$0x80]  }
0xb5: {  	v8 =	vld [tilespmem:s30+$0xA0];
	v0 =	vadd.f32 v0, v2  }
0xb6: {  	v2 =	vld [tilespmem:s30+$0xC0]  }
0xb7: {  	v10 =	vld [tilespmem:s30+$0xE0];
	v0 =	vadd.f32 v0, v1  }
0xb8: {  	v1 =	vld [tilespmem:s30+$0x100]  }
0xb9: {  	v11 =	vld [tilespmem:s30+$0x120]  }
0xba: {  	v12 =	vld [tilespmem:s30+$0x140]  }
0xbb: {  	v13 =	vld [tilespmem:s30+$0x160]  }
0xbc: {  	v14 =	vld [tilespmem:s30+$0x180]  }
0xbd: {  	v15 =	vld [tilespmem:s30+$0x1A0]  }
0xbe: {  	v16 =	vld [tilespmem:s30+$0x1C0]  }
0xbf: {  	v17 =	vld [tilespmem:s30+$0x1E0]  }
0xc0: {  	v18 =	vld [tilespmem:s30+$0x220]  }
0xc1: {  	v4 =	vadd.f32 v7, v4;
	v5 =	vadd.f32 v6, v5;
	v19 =	vld [tilespmem:s30+$0x240]  }
0xc2: {  	v3 =	vadd.f32 v8, v3;
	v2 =	vadd.f32 v10, v2;
	v6 =	vld [tilespmem:s30+$0x260]  }
0xc3: {  	v1 =	vadd.f32 v11, v1;
	v8 =	vadd.f32 v13, v12;
	v7 =	vld [tilespmem:s30+$0xFFFFFDA0]  }
0xc4: {  	v11 =	vadd.f32 v15, v14;
	v10 =	vld [tilespmem:s30+$0xFFFFFDC0];
	v12 =	vadd.f32 v17, v16  }
0xc5: {  	v4 =	vadd.f32 v5, v4;
	v2 =	vadd.f32 v2, v3;
	v13 =	vld [tilespmem:s30+$0xFFFFFDE0]  }
0xc6: {  	v1 =	vadd.f32 v8, v1;
	v3 =	vld [tilespmem:s30+$0xFFFFFE00];
	v5 =	vadd.f32 v12, v11  }
0xc7: {  	v9 =	vadd.f32 v18, v9;
	v8 =	vld [tilespmem:s30+$0xFFFFFE20];
	v6 =	vadd.f32 v6, v19  }
0xc8: {  	v2 =	vadd.f32 v2, v4;
	v11 =	vld [tilespmem:s30+$0xFFFFFE40];
	v1 =	vadd.f32 v5, v1  }
0xc9: {  	v4 =	vld [tilespmem:s30+$0xFFFFFE60]  }
0xca: {  	v6 =	vadd.f32 v6, v9;
	v5 =	vld [tilespmem:s30+$0xFFFFFE80];
	v1 =	vadd.f32 v1, v2  }
0xcb: {  	v9 =	vadd.f32 v13, v10;
	v2 =	vld [tilespmem:s30+$0xFFFFFEA0]  }
0xcc: {  	v10 =	vld [tilespmem:s30+$0xFFFFFEC0];
	v3 =	vadd.f32 v8, v3;
	v1 =	vadd.f32 v6, v1  }
0xcd: {  	s26 =	sadd.s32 $0x40, s26;
	v6 =	vld [tilespmem:s30+$0xFFFFFEE0]  }
0xce: {  	v8 =	vld [tilespmem:s30+$0xFFFFFF00];
	v4 =	vadd.f32 v4, v11;
	[tilespmem:s26+$0x0] =	vst v1  }
0xcf: {  	s29 =	sadd.s32 $0x2, s29;
	v1 =	vld [tilespmem:s30+$0x210]  }
0xd0: {  	p1 =	slt.u32 s29, $0x3E;
	v2 =	vadd.f32 v2, v5;
	v3 =	vadd.f32 v4, v3;
	v4 =	vld [tilespmem:s30+$0x10]  }
0xd1: {  	v5 =	vld [tilespmem:s30+$0x30]  }
0xd2: {  	v6 =	vadd.f32 v6, v10;
	v10 =	vld [tilespmem:s30+$0x50]  }
0xd3: {  	v11 =	vld [tilespmem:s30+$0x70]  }
0xd4: {  	v2 =	vadd.f32 v6, v2;
	v6 =	vld [tilespmem:s30+$0x90]  }
0xd5: {  	v12 =	vld [tilespmem:s30+$0xB0]  }
0xd6: {  	v13 =	vld [tilespmem:s30+$0xD0]  }
0xd7: {  	v14 =	vld [tilespmem:s30+$0xF0]  }
0xd8: {  	v15 =	vld [tilespmem:s30+$0x110]  }
0xd9: {  	v16 =	vld [tilespmem:s30+$0x130]  }
0xda: {  	v17 =	vld [tilespmem:s30+$0x150]  }
0xdb: {  	v18 =	vld [tilespmem:s30+$0x170]  }
0xdc: {  	v19 =	vld [tilespmem:s30+$0x190]  }
0xdd: {  	v20 =	vld [tilespmem:s30+$0x1B0]  }
0xde: {  	v21 =	vld [tilespmem:s30+$0x1D0]  }
0xdf: {  	v22 =	vld [tilespmem:s30+$0x1F0]  }
0xe0: {  	v23 =	vld [tilespmem:s30+$0x230]  }
0xe1: {  	v4 =	vadd.f32 v5, v4;
	v5 =	vadd.f32 v11, v10;
	v24 =	vld [tilespmem:s30+$0x250]  }
0xe2: {  	v6 =	vadd.f32 v12, v6;
	v11 =	vadd.f32 v14, v13;
	v10 =	vld [tilespmem:s30+$0x270]  }
0xe3: {  	v13 =	vadd.f32 v16, v15;
	v14 =	vadd.f32 v18, v17;
	v12 =	vld [tilespmem:s30+$0xFFFFFF20]  }
0xe4: {  	v16 =	vadd.f32 v20, v19;
	v15 =	vld [tilespmem:s30+$0xFFFFFF40];
	v17 =	vadd.f32 v22, v21  }
0xe5: {  	v4 =	vadd.f32 v5, v4;
	v5 =	vadd.f32 v11, v6;
	v18 =	vld [tilespmem:s30+$0xFFFFFF60]  }
0xe6: {  	v11 =	vadd.f32 v14, v13;
	v6 =	vld [tilespmem:s30+$0xFFFFFD80];
	v13 =	vadd.f32 v17, v16  }
0xe7: {  	v1 =	vadd.f32 v23, v1;
	v14 =	vld [tilespmem:s30+$0xFFFFFF80];
	v10 =	vadd.f32 v10, v24  }
0xe8: {  	v4 =	vadd.f32 v5, v4;
	v16 =	vld [tilespmem:s30+$0xFFFFFFA0];
	v5 =	vadd.f32 v13, v11  }
0xe9: {  	v8 =	vadd.f32 v12, v8;
	v11 =	vld [tilespmem:s30+$0xFFFFFFC0]  }
0xea: {  	v1 =	vadd.f32 v10, v1;
	v12 =	vld [tilespmem:s30+$0xFFFFFFE0];
	v4 =	vadd.f32 v5, v4  }
0xeb: {  	v5 =	vadd.f32 v7, v6;
	v6 =	vadd.f32 v18, v15;
	v7 =	vld [tilespmem:s25+$0xFFFFFE90]  }
0xec: {  	v1 =	vadd.f32 v1, v4;
	v4 =	vld [tilespmem:s25+$0xFFFFFEB0]  }
0xed: {  	v5 =	vadd.f32 v9, v5;
	v6 =	vadd.f32 v6, v8;
	v8 =	vld [tilespmem:s25+$0xFFFFFED0]  }
0xee: {  	v9 =	vadd.f32 v16, v14;
	[tilespmem:s26+$0x10] =	vst v1;
	v1 =	vld [tilespmem:s25+$0xFFFFFEF0]  }
0xef: {  	v3 =	vadd.f32 v3, v5;
	v2 =	vadd.f32 v6, v2;
	v5 =	vld [tilespmem:s25+$0xFFFFFF10]  }
0xf0: {  	v6 =	vadd.f32 v12, v11;
	v10 =	vld [tilespmem:s25+$0xFFFFFF30]  }
0xf1: {  	v2 =	vadd.f32 v2, v3;
	v3 =	vld [tilespmem:s25+$0xFFFFFF50];
	v4 =	vadd.f32 v4, v7  }
0xf2: {  	v6 =	vadd.f32 v6, v9;
	v7 =	vld [tilespmem:s25+$0xFFFFFF70]  }
0xf3: {  	v9 =	vld [tilespmem:s25+$0xFFFFFF90];
	v1 =	vadd.f32 v1, v8  }
0xf4: {  	v2 =	vadd.f32 v6, v2;
	v6 =	vld [tilespmem:s25+$0xFFFFFFB0]  }
0xf5: {  	v8 =	vld [tilespmem:s25+$0xFFFFFFD0];
	v5 =	vadd.f32 v10, v5;
	v10 =	vadd.f32 v1, v4  }
0xf6: {  	[tilespmem:s26+$0xFFFFFFE0] =	vst v2;
	v11 =	vld [tilespmem:s25+$0xFFFFFFF0];
	s25 =	smov.u32 s30  }
0xf7: {  	v12 =	vld [tilespmem:s30+$0xFFFFFD90];
	v2 =	vadd.f32 v7, v3  }
0xf8: {  	v7 =	vld [tilespmem:s30+$0xFFFFFDB0]  }
0xf9: {  	v1 =	vld [tilespmem:s30+$0xFFFFFDD0];
	v9 =	vadd.f32 v6, v9;
	v3 =	vadd.f32 v2, v5  }
.Ltmp0:
0xfa: {  	v4 =	vld [tilespmem:s30+$0xFFFFFDF0];
	(pc) =	sbr.rel @p1 .LBB2_3-.Ltmp0, $4  }
0xfb: {  	v2 =	vld [tilespmem:s30+$0xFFFFFE10];
	v11 =	vadd.f32 v11, v8;
	v8 =	vadd.f32 v3, v10  }
0xfc: {  	v6 =	vld [tilespmem:s30+$0xFFFFFE30]  }
0xfd: {  	v3 =	vld [tilespmem:s30+$0xFFFFFE50];
	v5 =	vadd.f32 v7, v12;
	v0 =	vadd.f32 v8, v0  }
0xfe: {  	s30 =	sadd.s32 $0x500, s30;
	v7 =	vadd.f32 v11, v9;
	v8 =	vld [tilespmem:s25+$0xFFFFFE70]  }
0xff: {  	v9 =	vld [tilespmem:s25+$0xFFFFFE90]  }
0x100: {  	v10 =	vld [tilespmem:s25+$0xFFFFFEB0]  }
0x101: {  	v11 =	vld [tilespmem:s25+$0xFFFFFED0]  }
0x102: {  	v12 =	vld [tilespmem:s25+$0xFFFFFEF0]  }
0x103: {  	v13 =	vld [tilespmem:s25+$0xFFFFFF10]  }
0x104: {  	v14 =	vld [tilespmem:s25+$0xFFFFFF30]  }
0x105: {  	v15 =	vld [tilespmem:s25+$0xFFFFFF50]  }
0x106: {  	v16 =	vld [tilespmem:s25+$0xFFFFFF70]  }
0x107: {  	v17 =	vld [tilespmem:s25+$0xFFFFFF90]  }
0x108: {  	v53 =	vld [tilespmem:s25+$0xFFFFFFB0]  }
0x109: {  	v1 =	vadd.f32 v4, v1;
	v54 =	vld [tilespmem:s25+$0xFFFFFFD0]  }
0x10a: {  	v57 =	vld [tilespmem:s25+$0xFFFFFFF0];
	v2 =	vadd.f32 v6, v2;
	v3 =	vadd.f32 v8, v3  }
0x10b: {  	v55 =	vadd.f32 v10, v9;
	v56 =	vadd.f32 v12, v11  }
0x10c: {  	v58 =	vadd.f32 v14, v13;
	v59 =	vadd.f32 v16, v15  }
0x10d: {  	v1 =	vadd.f32 v1, v5;
	v2 =	vadd.f32 v3, v2  }
0x10e: {  	v60 =	vadd.f32 v56, v55;
	v61 =	vadd.f32 v59, v58  }
0x10f: {  	v62 =	vadd.f32 v53, v17;
	v63 =	vadd.f32 v57, v54  }
0x110: {  	v1 =	vadd.f32 v2, v1;
	v3 =	vadd.f32 v61, v60;
	_ =	sdelay $0x1  }
0x111: {  	v2 =	vadd.f32 v63, v62;
	v1 =	vadd.f32 v3, v1  }
0x112: {  	s30 =	sshll.u32 s21, $0xC;
	p1 =	seq.s32 s21, $0x67;
	v0 =	vadd.f32 v7, v0  }
0x113: {  	s25 =	sadd.s32 s8, s30;
	p2 =	sne.s32 @!p1 s23, $0x7;
	v1 =	vadd.f32 v2, v1  }
0x114: {  	s31 =	sshrl.u32 s25, $0x3;
	p2 =	por p1, p2;
	[tilespmem:s24+$0xFFFFFFF0] =	vst v0  }
.Ltmp1:
0x115: {  	s24 =	sadd.s32 s2, s31;
	[tilespmem:s26+$0xFFFFFFF0] =	vst v1;
	(pc) =	sbr.rel @p2 .LBB2_6-.Ltmp1, $4  }
0x116: {  	[hbm4b:s24+s3] =	stream.linear.scatter [tilespmem:s15], [sflag:$0x3], $0x800, $0x38;
	[tilespmem:$0x17800] =	vst v63  }
0x117: {  	_ =	swait.ge [sflag:s16], $0xA000  }
0x118: {  	[sflag:s16] =	ssyncset.done $0x0  }
0x119: {  	s23 =	sadd.s32 $0x2, s28;
	[sflag:s16] =	ssyncadd.s32 $0xFFFF6000  }
0x11a: {  	s24 =	sshrl.u32 s23, $0x3  }
0x11b: {  	s24 =	smul.u32 $0x2800, s24;
	_ =	sdelay $0x1  }
0x11c: {  	s24 =	sadd.s32 s4, s24  }
0x11d: {  	s24 =	sshrl.u32 s24, $0x3  }
0x11e: {  	s24 =	sadd.s32 s5, s24  }
0x11f: {  	[tilespmem:s3], [sflag:$0x5] =	stream.linear.gather [hbm4b:s24+s3], $0x2800, $0x38;
	[tilespmem:$0x17800] =	vst v63  }
0x120: {  	_ =	swait.ge [sflag:s10], $0x2800  }
0x121: {  	[sflag:s10] =	ssyncset.done $0x0  }
0x122: {  	[sflag:s10] =	ssyncadd.s32 $0xFFFFD800  }
.LBB2_7:
0x123: {  	s23 =	sand.u32 $0x6, s23  }
0x124: {  	s23 =	smul.u32 $0x1400, s23  }
.Ltmp2:
0x125: {  	_ = 	snop;
	(pc) =	sbr.rel @!p0 .LBB2_8-.Ltmp2, $4  }
.Ltmp3:
0x126: {  	_ = 	snop;
	(pc) =	sbr.rel @p0 .LBB2_9-.Ltmp3, $4  }
0x127: {  	_ = 	snop  }
0x128: {  	s23 =	sshrl.u32 s23, $0x2  }
0x129: {  	[tilespmem:s12], [sflag:$0x1] =	stream.indirect.gather [hbm4b:s6+s11], $0x20, s23, s11, $0xb8;
	[tilespmem:$0x17800] =	vst v63  }
0x12a: {  	_ = 	snop  }
.LBB2_6:
.Ltmp4:
0x12b: {  	(pc) =	sbr.rel @!p1 .LBB2_7-.Ltmp4, $1  }
0x12c: {  	_ =	sdelay $0x3  }
.LBB2_8:
0x12d: {  	_ =	swait.ge [sflag:s19], $0x800  }
0x12e: {  	[sflag:s19] =	ssyncset.done $0x0  }
0x12f: {  	[sflag:s19] =	ssyncadd.s32 $0xFFFFF800  }
.LBB2_9:
0x130: {  	s26 =	simm.s32 $0xCA80  }
0x131: {  	v0 =	vld [tilespmem:s26+$0x200]  }
0x132: {  	v1 =	vld [tilespmem:s26+$0x0]  }
0x133: {  	v2 =	vld [tilespmem:s26+$0x20]  }
0x134: {  	v3 =	vld [tilespmem:s26+$0x40]  }
0x135: {  	v4 =	vld [tilespmem:s26+$0x60]  }
0x136: {  	v5 =	vld [tilespmem:s26+$0x80]  }
0x137: {  	v6 =	vld [tilespmem:s26+$0xA0]  }
0x138: {  	v7 =	vld [tilespmem:s26+$0xC0]  }
0x139: {  	v8 =	vld [tilespmem:s26+$0xE0]  }
0x13a: {  	v9 =	vld [tilespmem:s26+$0x100]  }
0x13b: {  	v10 =	vld [tilespmem:s26+$0x120]  }
0x13c: {  	v11 =	vld [tilespmem:s26+$0x140]  }
0x13d: {  	v12 =	vld [tilespmem:s26+$0x160]  }
0x13e: {  	v13 =	vld [tilespmem:s26+$0x180]  }
0x13f: {  	v14 =	vld [tilespmem:s26+$0x1A0]  }
0x140: {  	v15 =	vld [tilespmem:s26+$0x1C0]  }
0x141: {  	v16 =	vld [tilespmem:s26+$0x1E0]  }
0x142: {  	v17 =	vld [tilespmem:s26+$0x220]  }
0x143: {  	v18 =	vld [tilespmem:s26+$0x240]  }
0x144: {  	v53 =	vld [tilespmem:s26+$0xFFFFFDE0]  }
0x145: {  	v21 =	vld [tilespmem:s26+$0xFFFFFF20]  }
0x146: {  	v22 =	vld [tilespmem:s26+$0xFFFFFF40]  }
0x147: {  	v23 =	vld [tilespmem:s26+$0xFFFFFD80]  }
0x148: {  	v24 =	vld [tilespmem:s26+$0xFFFFFF60]  }
0x149: {  	s24 =	simm.s32 $0xCF80;
	v25 =	vld [tilespmem:s26+$0xFFFFFF80]  }
0x14a: {  	v28 =	vld [tilespmem:s24+$0x200]  }
0x14b: {  	v29 =	vld [tilespmem:s24+$0x0]  }
0x14c: {  	v30 =	vld [tilespmem:s24+$0x20]  }
0x14d: {  	v31 =	vld [tilespmem:s24+$0x40]  }
0x14e: {  	v32 =	vld [tilespmem:s24+$0x60]  }
0x14f: {  	v33 =	vld [tilespmem:s24+$0x80]  }
0x150: {  	v34 =	vld [tilespmem:s24+$0xA0]  }
0x151: {  	v35 =	vld [tilespmem:s24+$0xC0]  }
0x152: {  	v36 =	vld [tilespmem:s24+$0xE0]  }
0x153: {  	v37 =	vld [tilespmem:s24+$0x100]  }
0x154: {  	v38 =	vld [tilespmem:s24+$0x120]  }
0x155: {  	v39 =	vld [tilespmem:s24+$0x140]  }
0x156: {  	v40 =	vld [tilespmem:s24+$0x160]  }
0x157: {  	v41 =	vld [tilespmem:s24+$0x180]  }
0x158: {  	v42 =	vld [tilespmem:s24+$0x1A0]  }
0x159: {  	v43 =	vld [tilespmem:s24+$0x1C0]  }
0x15a: {  	v44 =	vld [tilespmem:s24+$0x1E0]  }
0x15b: {  	v45 =	vld [tilespmem:s24+$0x220]  }
0x15c: {  	v46 =	vld [tilespmem:s24+$0x240]  }
0x15d: {  	v57 =	vld [tilespmem:s24+$0x260]  }
0x15e: {  	v1 =	vadd.f32 v2, v1;
	v2 =	vadd.f32 v4, v3;
	v3 =	vld [tilespmem:s26+$0x260]  }
0x15f: {  	v4 =	vadd.f32 v6, v5;
	v6 =	vld [tilespmem:s26+$0xFFFFFDA0]  }
0x160: {  	v5 =	vadd.f32 v8, v7;
	v7 =	vadd.f32 v10, v9;
	v9 =	vld [tilespmem:s26+$0xFFFFFDC0]  }
0x161: {  	v58 =	vadd.f32 v34, v33;
	v34 =	vld [tilespmem:s24+$0xFFFFFDA0]  }
0x162: {  	v60 =	vadd.f32 v38, v37;
	v37 =	vld [tilespmem:s24+$0xFFFFFDC0]  }
0x163: {  	v61 =	vadd.f32 v40, v39;
	v40 =	vld [tilespmem:s24+$0xFFFFFDE0]  }
0x164: {  	v56 =	vadd.f32 v32, v31;
	v32 =	vld [tilespmem:s24+$0xFFFFFE00]  }
0x165: {  	v59 =	vadd.f32 v36, v35;
	v36 =	vld [tilespmem:s24+$0xFFFFFE20]  }
0x166: {  	v38 =	vld [tilespmem:s24+$0xFFFFFE40]  }
0x167: {  	v33 =	vld [tilespmem:s24+$0xFFFFFE60]  }
0x168: {  	v8 =	vadd.f32 v12, v11;
	v35 =	vld [tilespmem:s24+$0xFFFFFE80]  }
0x169: {  	v10 =	vadd.f32 v14, v13;
	v29 =	vadd.f32 v30, v29;
	v30 =	vld [tilespmem:s24+$0xFFFFFEA0]  }
0x16a: {  	v11 =	vadd.f32 v16, v15;
	v62 =	vadd.f32 v42, v41;
	v39 =	vld [tilespmem:s24+$0xFFFFFF00]  }
0x16b: {  	v1 =	vadd.f32 v2, v1;
	v2 =	vadd.f32 v5, v4;
	v4 =	vld [tilespmem:s26+$0xFFFFFE00]  }
0x16c: {  	v28 =	vadd.f32 v45, v28;
	v5 =	vadd.f32 v8, v7;
	v8 =	vld [tilespmem:s26+$0xFFFFFE20]  }
0x16d: {  	v31 =	vadd.f32 v57, v46;
	v7 =	vadd.f32 v11, v10;
	v10 =	vld [tilespmem:s26+$0xFFFFFE40]  }
0x16e: {  	v63 =	vadd.f32 v44, v43;
	v11 =	vld [tilespmem:s26+$0xFFFFFF00];
	v29 =	vadd.f32 v56, v29  }
0x16f: {  	v42 =	vadd.f32 v59, v58;
	v28 =	vadd.f32 v31, v28;
	v31 =	vld [tilespmem:s24+$0xFFFFFEC0]  }
0x170: {  	v43 =	vadd.f32 v61, v60;
	v44 =	vadd.f32 v63, v62;
	v63 =	vld [tilespmem:s24+$0xFFFFFF40]  }
0x171: {  	v1 =	vadd.f32 v2, v1;
	v2 =	vadd.f32 v7, v5;
	v5 =	vld [tilespmem:s26+$0xFFFFFE60]  }
0x172: {  	v0 =	vadd.f32 v17, v0;
	v7 =	vld [tilespmem:s26+$0xFFFFFE80];
	v29 =	vadd.f32 v42, v29  }
0x173: {  	v47 =	vadd.f32 v44, v43;
	v44 =	vld [tilespmem:s24+$0xFFFFFFC0];
	v3 =	vadd.f32 v3, v18  }
0x174: {  	v1 =	vadd.f32 v2, v1;
	v2 =	vld [tilespmem:s26+$0xFFFFFEA0]  }
0x175: {  	v29 =	vadd.f32 v47, v29;
	v0 =	vadd.f32 v3, v0;
	v3 =	vld [tilespmem:s26+$0xFFFFFEC0]  }
0x176: {  	v4 =	vadd.f32 v8, v4;
	v8 =	vld [tilespmem:s26+$0xFFFFFFA0]  }
0x177: {  	v28 =	vadd.f32 v28, v29;
	v29 =	vld [tilespmem:s24+$0xFFFFFEE0]  }
0x178: {  	s25 =	simm.s32 $0x17060;
	v0 =	vadd.f32 v0, v1;
	v1 =	vld [tilespmem:s26+$0xFFFFFEE0]  }
0x179: {  	[tilespmem:s25+$0x0] =	vst v28;
	v2 =	vadd.f32 v2, v7;
	v7 =	vld [tilespmem:s26+$0xFFFFFFC0]  }
0x17a: {  	v28 =	vld [tilespmem:s24+$0x210]  }
0x17b: {  	v48 =	vld [tilespmem:s24+$0x10]  }
0x17c: {  	v49 =	vld [tilespmem:s24+$0x30]  }
0x17d: {  	v50 =	vld [tilespmem:s24+$0x50]  }
0x17e: {  	v51 =	vld [tilespmem:s24+$0x70]  }
0x17f: {  	v55 =	vadd.f32 v24, v22;
	v9 =	vadd.f32 v53, v9;
	v52 =	vld [tilespmem:s24+$0x90]  }
0x180: {  	v6 =	vadd.f32 v6, v23;
	v11 =	vadd.f32 v21, v11;
	v53 =	vld [tilespmem:s24+$0xB0]  }
0x181: {  	v47 =	vld [tilespmem:s24+$0xD0]  }
0x182: {  	v6 =	vadd.f32 v9, v6;
	v9 =	vadd.f32 v55, v11;
	v55 =	vld [tilespmem:s24+$0xF0]  }
0x183: {  	v58 =	vld [tilespmem:s24+$0x110]  }
0x184: {  	s23 =	simm.s32 $0x17020;
	v59 =	vld [tilespmem:s24+$0x170]  }
0x185: {  	[tilespmem:s23+$0x0] =	vst v0;
	v62 =	vld [tilespmem:s24+$0x270]  }
0x186: {  	v0 =	vld [tilespmem:s26+$0x210]  }
0x187: {  	v13 =	vld [tilespmem:s26+$0x10]  }
0x188: {  	v14 =	vld [tilespmem:s26+$0x30]  }
0x189: {  	v15 =	vld [tilespmem:s26+$0x50]  }
0x18a: {  	v54 =	vld [tilespmem:s26+$0x70]  }
0x18b: {  	v17 =	vld [tilespmem:s26+$0x90]  }
0x18c: {  	v18 =	vld [tilespmem:s26+$0xB0]  }
0x18d: {  	v19 =	vld [tilespmem:s26+$0xD0]  }
0x18e: {  	v5 =	vadd.f32 v5, v10;
	v20 =	vld [tilespmem:s26+$0xF0]  }
0x18f: {  	v10 =	vld [tilespmem:s26+$0x110]  }
0x190: {  	v4 =	vadd.f32 v5, v4;
	v5 =	vld [tilespmem:s26+$0x130]  }
0x191: {  	v11 =	vld [tilespmem:s26+$0x170]  }
0x192: {  	v12 =	vld [tilespmem:s26+$0x270]  }
0x193: {  	v1 =	vadd.f32 v1, v3;
	v3 =	vld [tilespmem:s26+$0xFFFFFFE0]  }
0x194: {  	v4 =	vadd.f32 v4, v6;
	v6 =	vld [tilespmem:s26+$0x190]  }
0x195: {  	v1 =	vadd.f32 v1, v2;
	v2 =	vld [tilespmem:s26+$0x150]  }
0x196: {  	v42 =	vadd.f32 v49, v48;
	v49 =	vld [tilespmem:s24+$0xFFFFFFE0]  }
0x197: {  	v8 =	vadd.f32 v8, v25;
	v5 =	vadd.f32 v5, v10;
	v10 =	vld [tilespmem:s24+$0x130]  }
0x198: {  	v1 =	vadd.f32 v9, v1;
	v9 =	vld [tilespmem:s26+$0x1D0];
	v3 =	vadd.f32 v3, v7  }
0x199: {  	v7 =	vld [tilespmem:s26+$0x1B0]  }
0x19a: {  	v1 =	vadd.f32 v1, v4;
	v4 =	vld [tilespmem:s26+$0x1F0];
	v3 =	vadd.f32 v3, v8  }
0x19b: {  	v8 =	vld [tilespmem:s26+$0x230];
	v2 =	vadd.f32 v11, v2  }
0x19c: {  	v1 =	vadd.f32 v3, v1;
	v3 =	vld [tilespmem:s26+$0x250]  }
0x19d: {  	v2 =	vadd.f32 v2, v5;
	v5 =	vld [tilespmem:s24+$0x190]  }
0x19e: {  	v6 =	vadd.f32 v7, v6;
	v7 =	vld [tilespmem:s24+$0x150];
	[tilespmem:s23+$0xFFFFFFE0] =	vst v1  }
0x19f: {  	v1 =	vld [tilespmem:s26+$0xFFFFFD90]  }
0x1a0: {  	v43 =	vadd.f32 v51, v50;
	v48 =	vadd.f32 v53, v52;
	v21 =	vld [tilespmem:s26+$0xFFFFFDB0]  }
0x1a1: {  	v54 =	vadd.f32 v54, v15;
	v56 =	vadd.f32 v18, v17;
	v22 =	vld [tilespmem:s26+$0xFFFFFDD0]  }
0x1a2: {  	v57 =	vadd.f32 v20, v19;
	v15 =	vadd.f32 v55, v47;
	v23 =	vld [tilespmem:s26+$0xFFFFFDF0]  }
0x1a3: {  	v13 =	vadd.f32 v14, v13;
	v4 =	vadd.f32 v4, v9;
	v24 =	vld [tilespmem:s26+$0xFFFFFE10]  }
0x1a4: {  	v15 =	vadd.f32 v15, v48;
	v11 =	vadd.f32 v57, v56;
	v25 =	vld [tilespmem:s26+$0xFFFFFE30]  }
0x1a5: {  	v9 =	vadd.f32 v54, v13;
	v26 =	vld [tilespmem:s26+$0xFFFFFE50];
	v4 =	vadd.f32 v4, v6  }
0x1a6: {  	v27 =	vld [tilespmem:s26+$0xFFFFFE70];
	v0 =	vadd.f32 v8, v0;
	v3 =	vadd.f32 v12, v3  }
0x1a7: {  	v51 =	vld [tilespmem:s26+$0xFFFFFE90];
	v8 =	vadd.f32 v11, v9;
	v2 =	vadd.f32 v4, v2  }
0x1a8: {  	v56 =	vadd.f32 v49, v44;
	v52 =	vld [tilespmem:s26+$0xFFFFFEB0];
	v0 =	vadd.f32 v3, v0  }
0x1a9: {  	v53 =	vld [tilespmem:s26+$0xFFFFFED0];
	v2 =	vadd.f32 v2, v8;
	v1 =	vadd.f32 v21, v1  }
0x1aa: {  	v55 =	vld [tilespmem:s26+$0xFFFFFF10];
	v8 =	vadd.f32 v23, v22;
	v60 =	vadd.f32 v25, v24  }
0x1ab: {  	v61 =	vadd.f32 v27, v26;
	v26 =	vadd.f32 v36, v32;
	v32 =	vld [tilespmem:s24+$0xFFFFFF60]  }
0x1ac: {  	v10 =	vadd.f32 v10, v58;
	v36 =	vld [tilespmem:s24+$0xFFFFFD80];
	v0 =	vadd.f32 v0, v2  }
0x1ad: {  	v2 =	vld [tilespmem:s24+$0xFFFFFF20];
	v1 =	vadd.f32 v8, v1;
	v8 =	vadd.f32 v61, v60  }
0x1ae: {  	v6 =	vld [tilespmem:s24+$0x1B0];
	v7 =	vadd.f32 v59, v7;
	v27 =	vadd.f32 v33, v38  }
0x1af: {  	v8 =	vadd.f32 v8, v1;
	v1 =	vadd.f32 v40, v37;
	v37 =	vld [tilespmem:s24+$0xFFFFFF80]  }
0x1b0: {  	v33 =	vadd.f32 v30, v35;
	v35 =	vadd.f32 v29, v31;
	v40 =	vld [tilespmem:s24+$0xFFFFFFA0]  }
0x1b1: {  	v9 =	vld [tilespmem:s24+$0x1F0];
	v7 =	vadd.f32 v7, v10;
	v50 =	vadd.f32 v34, v36  }
0x1b2: {  	v4 =	vld [tilespmem:s24+$0x1D0];
	v12 =	vadd.f32 v32, v63;
	v2 =	vadd.f32 v2, v39  }
0x1b3: {  	v57 =	vld [tilespmem:s26+$0xFFFFFF30];
	v14 =	vadd.f32 v27, v26;
	v38 =	vadd.f32 v35, v33  }
0x1b4: {  	v58 =	vld [tilespmem:s26+$0xFFFFFF50];
	v1 =	vadd.f32 v1, v50;
	v2 =	vadd.f32 v12, v2  }
0x1b5: {  	v11 =	vld [tilespmem:s24+$0x250];
	v5 =	vadd.f32 v6, v5;
	v54 =	vadd.f32 v40, v37  }
0x1b6: {  	v3 =	vld [tilespmem:s24+$0x230];
	v1 =	vadd.f32 v14, v1;
	v2 =	vadd.f32 v2, v38  }
0x1b7: {  	v6 =	vld [tilespmem:s26+$0xFFFFFEF0];
	v60 =	vadd.f32 v52, v51;
	v4 =	vadd.f32 v9, v4  }
0x1b8: {  	v59 =	vld [tilespmem:s26+$0xFFFFFF70];
	v1 =	vadd.f32 v2, v1;
	v2 =	vadd.f32 v56, v54  }
0x1b9: {  	v10 =	vld [tilespmem:s26+$0xFFFFFF90];
	v9 =	vadd.f32 v43, v42;
	v4 =	vadd.f32 v4, v5  }
0x1ba: {  	v5 =	vadd.f32 v62, v11;
	v11 =	vld [tilespmem:s26+$0xFFFFFFD0];
	v1 =	vadd.f32 v2, v1  }
0x1bb: {  	v3 =	vadd.f32 v3, v28;
	v4 =	vadd.f32 v4, v7;
	v7 =	vld [tilespmem:s26+$0xFFFFFFF0]  }
0x1bc: {  	v9 =	vadd.f32 v15, v9;
	v6 =	vadd.f32 v6, v53;
	v2 =	vld [tilespmem:s26+$0xFFFFFFB0];
	[tilespmem:s25+$0xFFFFFFE0] =	vst v1  }
0x1bd: {  	v14 =	vadd.f32 v57, v55;
	v12 =	vadd.f32 v59, v58;
	v61 =	vld [tilespmem:s24+$0xFFFFFD90]  }
0x1be: {  	v3 =	vadd.f32 v5, v3;
	v6 =	vadd.f32 v6, v60;
	v62 =	vld [tilespmem:s24+$0xFFFFFDB0]  }
0x1bf: {  	v5 =	vadd.f32 v4, v9;
	v9 =	vadd.f32 v12, v14;
	v1 =	vld [tilespmem:s24+$0xFFFFFDD0]  }
0x1c0: {  	v4 =	vld [tilespmem:s24+$0xFFFFFDF0]  }
0x1c1: {  	v63 =	vadd.f32 v3, v5;
	v9 =	vadd.f32 v9, v6;
	v6 =	vld [tilespmem:s24+$0xFFFFFE30]  }
0x1c2: {  	v7 =	vadd.f32 v7, v11;
	v10 =	vadd.f32 v2, v10;
	v2 =	vld [tilespmem:s24+$0xFFFFFE10]  }
0x1c3: {  	[tilespmem:s23+$0x10] =	vst v0;
	v0 =	vadd.f32 v9, v8;
	v3 =	vld [tilespmem:s24+$0xFFFFFE50]  }
0x1c4: {  	s28 =	simm.s32 $0xD480;
	[tilespmem:s25+$0x10] =	vst v63;
	s26 =	simm.s32 $0x2;
	v8 =	vld [tilespmem:s24+$0xFFFFFE70];
	v7 =	vadd.f32 v7, v10;
	v5 =	vadd.f32 v62, v61  }
.LBB2_10:
0x1c5: {  	v9 =	vld [tilespmem:s28+$0x200];
	v1 =	vadd.f32 v4, v1  }
0x1c6: {  	v4 =	vld [tilespmem:s28+$0x0];
	v0 =	vadd.f32 v7, v0  }
0x1c7: {  	v7 =	vld [tilespmem:s28+$0x20];
	v2 =	vadd.f32 v6, v2;
	v1 =	vadd.f32 v1, v5  }
0x1c8: {  	v5 =	vld [tilespmem:s28+$0x40];
	[tilespmem:s23+$0xFFFFFFF0] =	vst v0;
	s23 =	smov.u32 s25  }
0x1c9: {  	v6 =	vld [tilespmem:s28+$0x60];
	v0 =	vadd.f32 v8, v3  }
0x1ca: {  	v3 =	vld [tilespmem:s28+$0x80]  }
0x1cb: {  	v8 =	vld [tilespmem:s28+$0xA0];
	v0 =	vadd.f32 v0, v2  }
0x1cc: {  	v2 =	vld [tilespmem:s28+$0xC0]  }
0x1cd: {  	v10 =	vld [tilespmem:s28+$0xE0];
	v0 =	vadd.f32 v0, v1  }
0x1ce: {  	v1 =	vld [tilespmem:s28+$0x100]  }
0x1cf: {  	v11 =	vld [tilespmem:s28+$0x120]  }
0x1d0: {  	v12 =	vld [tilespmem:s28+$0x140]  }
0x1d1: {  	v13 =	vld [tilespmem:s28+$0x160]  }
0x1d2: {  	v14 =	vld [tilespmem:s28+$0x180]  }
0x1d3: {  	v15 =	vld [tilespmem:s28+$0x1A0]  }
0x1d4: {  	v16 =	vld [tilespmem:s28+$0x1C0]  }
0x1d5: {  	v17 =	vld [tilespmem:s28+$0x1E0]  }
0x1d6: {  	v18 =	vld [tilespmem:s28+$0x220]  }
0x1d7: {  	v4 =	vadd.f32 v7, v4;
	v5 =	vadd.f32 v6, v5;
	v19 =	vld [tilespmem:s28+$0x240]  }
0x1d8: {  	v3 =	vadd.f32 v8, v3;
	v2 =	vadd.f32 v10, v2;
	v6 =	vld [tilespmem:s28+$0x260]  }
0x1d9: {  	v1 =	vadd.f32 v11, v1;
	v8 =	vadd.f32 v13, v12;
	v7 =	vld [tilespmem:s28+$0xFFFFFDA0]  }
0x1da: {  	v11 =	vadd.f32 v15, v14;
	v10 =	vld [tilespmem:s28+$0xFFFFFDC0];
	v12 =	vadd.f32 v17, v16  }
0x1db: {  	v4 =	vadd.f32 v5, v4;
	v2 =	vadd.f32 v2, v3;
	v13 =	vld [tilespmem:s28+$0xFFFFFDE0]  }
0x1dc: {  	v1 =	vadd.f32 v8, v1;
	v3 =	vld [tilespmem:s28+$0xFFFFFE00];
	v5 =	vadd.f32 v12, v11  }
0x1dd: {  	v9 =	vadd.f32 v18, v9;
	v8 =	vld [tilespmem:s28+$0xFFFFFE20];
	v6 =	vadd.f32 v6, v19  }
0x1de: {  	v2 =	vadd.f32 v2, v4;
	v11 =	vld [tilespmem:s28+$0xFFFFFE40];
	v1 =	vadd.f32 v5, v1  }
0x1df: {  	v4 =	vld [tilespmem:s28+$0xFFFFFE60]  }
0x1e0: {  	v6 =	vadd.f32 v6, v9;
	v5 =	vld [tilespmem:s28+$0xFFFFFE80];
	v1 =	vadd.f32 v1, v2  }
0x1e1: {  	v9 =	vadd.f32 v13, v10;
	v2 =	vld [tilespmem:s28+$0xFFFFFEA0]  }
0x1e2: {  	v10 =	vld [tilespmem:s28+$0xFFFFFEC0];
	v3 =	vadd.f32 v8, v3;
	v1 =	vadd.f32 v6, v1  }
0x1e3: {  	s25 =	sadd.s32 $0x40, s25;
	v6 =	vld [tilespmem:s28+$0xFFFFFEE0]  }
0x1e4: {  	v8 =	vld [tilespmem:s28+$0xFFFFFF00];
	v4 =	vadd.f32 v4, v11;
	[tilespmem:s25+$0x0] =	vst v1  }
0x1e5: {  	s26 =	sadd.s32 $0x2, s26;
	v1 =	vld [tilespmem:s28+$0x210]  }
0x1e6: {  	p0 =	slt.u32 s26, $0x3E;
	v2 =	vadd.f32 v2, v5;
	v3 =	vadd.f32 v4, v3;
	v4 =	vld [tilespmem:s28+$0x10]  }
0x1e7: {  	v5 =	vld [tilespmem:s28+$0x30]  }
0x1e8: {  	v6 =	vadd.f32 v6, v10;
	v10 =	vld [tilespmem:s28+$0x50]  }
0x1e9: {  	v11 =	vld [tilespmem:s28+$0x70]  }
0x1ea: {  	v2 =	vadd.f32 v6, v2;
	v6 =	vld [tilespmem:s28+$0x90]  }
0x1eb: {  	v12 =	vld [tilespmem:s28+$0xB0]  }
0x1ec: {  	v13 =	vld [tilespmem:s28+$0xD0]  }
0x1ed: {  	v14 =	vld [tilespmem:s28+$0xF0]  }
0x1ee: {  	v15 =	vld [tilespmem:s28+$0x110]  }
0x1ef: {  	v16 =	vld [tilespmem:s28+$0x130]  }
0x1f0: {  	v17 =	vld [tilespmem:s28+$0x150]  }
0x1f1: {  	v18 =	vld [tilespmem:s28+$0x170]  }
0x1f2: {  	v19 =	vld [tilespmem:s28+$0x190]  }
0x1f3: {  	v20 =	vld [tilespmem:s28+$0x1B0]  }
0x1f4: {  	v21 =	vld [tilespmem:s28+$0x1D0]  }
0x1f5: {  	v22 =	vld [tilespmem:s28+$0x1F0]  }
0x1f6: {  	v23 =	vld [tilespmem:s28+$0x230]  }
0x1f7: {  	v4 =	vadd.f32 v5, v4;
	v5 =	vadd.f32 v11, v10;
	v24 =	vld [tilespmem:s28+$0x250]  }
0x1f8: {  	v6 =	vadd.f32 v12, v6;
	v11 =	vadd.f32 v14, v13;
	v10 =	vld [tilespmem:s28+$0x270]  }
0x1f9: {  	v13 =	vadd.f32 v16, v15;
	v14 =	vadd.f32 v18, v17;
	v12 =	vld [tilespmem:s28+$0xFFFFFF20]  }
0x1fa: {  	v16 =	vadd.f32 v20, v19;
	v15 =	vld [tilespmem:s28+$0xFFFFFF40];
	v17 =	vadd.f32 v22, v21  }
0x1fb: {  	v4 =	vadd.f32 v5, v4;
	v5 =	vadd.f32 v11, v6;
	v18 =	vld [tilespmem:s28+$0xFFFFFF60]  }
0x1fc: {  	v11 =	vadd.f32 v14, v13;
	v6 =	vld [tilespmem:s28+$0xFFFFFD80];
	v13 =	vadd.f32 v17, v16  }
0x1fd: {  	v1 =	vadd.f32 v23, v1;
	v14 =	vld [tilespmem:s28+$0xFFFFFF80];
	v10 =	vadd.f32 v10, v24  }
0x1fe: {  	v4 =	vadd.f32 v5, v4;
	v16 =	vld [tilespmem:s28+$0xFFFFFFA0];
	v5 =	vadd.f32 v13, v11  }
0x1ff: {  	v8 =	vadd.f32 v12, v8;
	v11 =	vld [tilespmem:s28+$0xFFFFFFC0]  }
0x200: {  	v1 =	vadd.f32 v10, v1;
	v12 =	vld [tilespmem:s28+$0xFFFFFFE0];
	v4 =	vadd.f32 v5, v4  }
0x201: {  	v5 =	vadd.f32 v7, v6;
	v6 =	vadd.f32 v18, v15;
	v7 =	vld [tilespmem:s24+$0xFFFFFE90]  }
0x202: {  	v1 =	vadd.f32 v1, v4;
	v4 =	vld [tilespmem:s24+$0xFFFFFEB0]  }
0x203: {  	v5 =	vadd.f32 v9, v5;
	v6 =	vadd.f32 v6, v8;
	v8 =	vld [tilespmem:s24+$0xFFFFFED0]  }
0x204: {  	v9 =	vadd.f32 v16, v14;
	[tilespmem:s25+$0x10] =	vst v1;
	v1 =	vld [tilespmem:s24+$0xFFFFFEF0]  }
0x205: {  	v3 =	vadd.f32 v3, v5;
	v2 =	vadd.f32 v6, v2;
	v5 =	vld [tilespmem:s24+$0xFFFFFF10]  }
0x206: {  	v6 =	vadd.f32 v12, v11;
	v10 =	vld [tilespmem:s24+$0xFFFFFF30]  }
0x207: {  	v2 =	vadd.f32 v2, v3;
	v3 =	vld [tilespmem:s24+$0xFFFFFF50];
	v4 =	vadd.f32 v4, v7  }
0x208: {  	v6 =	vadd.f32 v6, v9;
	v7 =	vld [tilespmem:s24+$0xFFFFFF70]  }
0x209: {  	v9 =	vld [tilespmem:s24+$0xFFFFFF90];
	v1 =	vadd.f32 v1, v8  }
0x20a: {  	v2 =	vadd.f32 v6, v2;
	v6 =	vld [tilespmem:s24+$0xFFFFFFB0]  }
0x20b: {  	v8 =	vld [tilespmem:s24+$0xFFFFFFD0];
	v5 =	vadd.f32 v10, v5;
	v10 =	vadd.f32 v1, v4  }
0x20c: {  	[tilespmem:s25+$0xFFFFFFE0] =	vst v2;
	v11 =	vld [tilespmem:s24+$0xFFFFFFF0];
	s24 =	smov.u32 s28  }
0x20d: {  	v12 =	vld [tilespmem:s28+$0xFFFFFD90];
	v2 =	vadd.f32 v7, v3  }
0x20e: {  	v7 =	vld [tilespmem:s28+$0xFFFFFDB0]  }
0x20f: {  	v1 =	vld [tilespmem:s28+$0xFFFFFDD0];
	v9 =	vadd.f32 v6, v9;
	v3 =	vadd.f32 v2, v5  }
.Ltmp5:
0x210: {  	v4 =	vld [tilespmem:s28+$0xFFFFFDF0];
	(pc) =	sbr.rel @p0 .LBB2_10-.Ltmp5, $4  }
0x211: {  	v2 =	vld [tilespmem:s28+$0xFFFFFE10];
	v11 =	vadd.f32 v11, v8;
	v8 =	vadd.f32 v3, v10  }
0x212: {  	v6 =	vld [tilespmem:s28+$0xFFFFFE30]  }
0x213: {  	v3 =	vld [tilespmem:s28+$0xFFFFFE50];
	v5 =	vadd.f32 v7, v12;
	v0 =	vadd.f32 v8, v0  }
0x214: {  	s28 =	sadd.s32 $0x500, s28;
	v7 =	vadd.f32 v11, v9;
	v8 =	vld [tilespmem:s24+$0xFFFFFE70]  }
0x215: {  	v9 =	vld [tilespmem:s24+$0xFFFFFE90]  }
0x216: {  	v10 =	vld [tilespmem:s24+$0xFFFFFEB0]  }
0x217: {  	v11 =	vld [tilespmem:s24+$0xFFFFFED0]  }
0x218: {  	v12 =	vld [tilespmem:s24+$0xFFFFFEF0]  }
0x219: {  	v13 =	vld [tilespmem:s24+$0xFFFFFF10]  }
0x21a: {  	v14 =	vld [tilespmem:s24+$0xFFFFFF30]  }
0x21b: {  	v15 =	vld [tilespmem:s24+$0xFFFFFF50]  }
0x21c: {  	v16 =	vld [tilespmem:s24+$0xFFFFFF70]  }
0x21d: {  	v17 =	vld [tilespmem:s24+$0xFFFFFF90]  }
0x21e: {  	v53 =	vld [tilespmem:s24+$0xFFFFFFB0]  }
0x21f: {  	v1 =	vadd.f32 v4, v1;
	v54 =	vld [tilespmem:s24+$0xFFFFFFD0]  }
0x220: {  	v57 =	vld [tilespmem:s24+$0xFFFFFFF0];
	v2 =	vadd.f32 v6, v2;
	v3 =	vadd.f32 v8, v3  }
0x221: {  	v55 =	vadd.f32 v10, v9;
	v56 =	vadd.f32 v12, v11  }
0x222: {  	v58 =	vadd.f32 v14, v13;
	v59 =	vadd.f32 v16, v15  }
0x223: {  	v1 =	vadd.f32 v1, v5;
	v2 =	vadd.f32 v3, v2  }
0x224: {  	v60 =	vadd.f32 v56, v55;
	v61 =	vadd.f32 v59, v58  }
0x225: {  	v62 =	vadd.f32 v53, v17;
	v63 =	vadd.f32 v57, v54  }
0x226: {  	v1 =	vadd.f32 v2, v1;
	v3 =	vadd.f32 v61, v60  }
0x227: {  	s21 =	sadd.s32 $0x1, s21  }
0x228: {  	p0 =	sne.s32 s21, $0x68;
	v2 =	vadd.f32 v63, v62;
	v1 =	vadd.f32 v3, v1  }
.Ltmp6:
0x229: {  	s22 =	sshll.u32 s22, $0xB;
	v0 =	vadd.f32 v7, v0;
	(pc) =	sbr.rel @p0 .LBB2_2-.Ltmp6, $4  }
0x22a: {  	s22 =	sadd.s32 s8, s22;
	v1 =	vadd.f32 v2, v1  }
0x22b: {  	s22 =	sshrl.u32 s22, $0x3;
	[tilespmem:s23+$0xFFFFFFF0] =	vst v0  }
0x22c: {  	s22 =	sadd.s32 s2, s22;
	[tilespmem:s25+$0xFFFFFFF0] =	vst v1  }
0x22d: {  	[hbm4b:s22+s3] =	stream.linear.scatter [tilespmem:s17], [sflag:$0x4], $0x800, $0x38;
	[tilespmem:$0x17800] =	vst v63  }
0x22e: {  	s20 =	sadd.s32 $0x1, s20  }
0x22f: {  	_ =	swait.ge [sflag:s18], $0x800;
	p0 =	sne.s32 s20, s9  }
.Ltmp7:
0x230: {  	[sflag:s18] =	ssyncset.done $0x0;
	(pc) =	sbr.rel @p0 .LBB2_1-.Ltmp7, $4  }
0x231: {  	[sflag:s18] =	ssyncadd.s32 $0xFFFFF800  }
0x232: {  	_ =	swait.ge [sflag:s19], $0x800  }
0x233: {  	[sflag:s19] =	ssyncset.done $0x0  }
0x234: {  	[sflag:s19] =	ssyncadd.s32 $0xFFFFF800  }
0x235: {  	_ =	sfence.sel $0x180000  }
0x236: {  	[bflag:$0x0] =	sbarrier.arrive $0xFFFF  }
0x237: {  	p0 =	sne.s32 s0, $0x0;
	_ =	strace $0x90000047  }
0x238: {  	s0 =	sadd.s32 @!p0 $0x100000, s1;
	[bflag:$0x2] =	sbarrier.arrive $0xFFFF  }
0x239: {  	[sflag:s0] =	ssyncadd.tile.s32 @!p0 $0x1;
	_ =	shalt  }
.Lfunc_end2:
_tile_overlayer_lowered:
.L_overlay_start_2:
0x23a: {  	(tag) =	ssettag $0x2  }
0x23b: {  	s0 =	rddreg [dreg:$0x0];
	s2 =	stileid.u32  }
0x23c: {  	s1 =	rddreg [dreg:$0x1];
	p0 =	sne.s32 s2, $0x0  }
0x23d: {  	s3 =	rddreg [dreg:$0x2];
	[bflag:$0x3] =	sbarrier.arrive $0xFFFF;
	s2 =	simm.s32 @!p0 $0x1C05  }
0x23e: {  	[timem:s3], [sflag:s2] =	dma.local @!p0 [hbm:s0], s1  }
0x23f: {  	s0 =	simm.s32 @!p0 $0x5  }
0x240: {  	_ =	swait.ge @!p0 [sflag:s0], s1  }
0x241: {  	s1 =	ssub.s32 @!p0 $0x0, s1;
	[sflag:s0] =	ssyncset.done @!p0 $0x0  }
0x242: {  	[sflag:s0] =	ssyncadd.s32 @!p0 s1  }
0x243: {  	[bflag:$0x3] =	sbarrier.arrive $0xFFFF  }
0x244: {  	_ =	shalt  }

</sc_bundles>
